<compile_context>
chip_gen: v7x
topology: tpu7x:2x2x1
jax: 0.10.2.dev20260603
libtpu: 0.0.44.dev20260713+nightly
codegen_flags: <defaults>
</compile_context>

<pallas_src>
import functools

import jax
import jax.numpy as jnp
from jax import lax
from jax.experimental import pallas as pl
from jax.experimental.pallas import tpu as pltpu
from jax.experimental.pallas import tpu_sc as plsc

_PELVIS = (0.5, 0.25, 0.25)
_NECK = (0.4, 0.3, 0.3)
_SHOULDER = (0.3, 0.2, 0.5)
_HIP = (0.6, 0.2, 0.2)

_L = 16
_NW = 32

_RAW_ROWS = 24
_J14_ROWS = 8


def _plane_specs():
    specs = []
    for c in range(3):
        specs += [
            (c, 8, [(_PELVIS[0], "r", 0), (_PELVIS[1], "r", 1), (_PELVIS[2], "r", 2)]),
            (c, 1, [(_NECK[0], "r", 12), (_NECK[1], "r", 13), (_NECK[2], "r", 14)]),
            (c, 5, [(_SHOULDER[0], "r", 16), (_SHOULDER[1], "r", 12), (_SHOULDER[2], "r", 13)]),
            (c, 2, [(_SHOULDER[0], "r", 17), (_SHOULDER[1], "r", 12), (_SHOULDER[2], "r", 14)]),
            (c, 12, [(_HIP[0], "r", 1), (_HIP[1], "r", 0), (_HIP[2], "j", 1)]),
            (c, 9, [(_HIP[0], "r", 2), (_HIP[1], "r", 0), (_HIP[2], "j", 4)]),
        ]
    return specs


def _sc_body(raw_hbm, j14_hbm, op_hbm, out_hbm, op_v, raw_v, j_v, sem_rj, sem_op):
    m = op_v.shape[2]
    wid = lax.axis_index("s") * 2 + lax.axis_index("c")
    wb = wid * m

    rj_waits = [
        pltpu.async_copy(
            raw_hbm.at[:, :, pl.ds(wb, m)], raw_v, sem_rj),
        pltpu.async_copy(
            j14_hbm.at[:, pl.ds(0, _J14_ROWS), pl.ds(wb, m)],
            j_v, sem_rj),
    ]
    op_wait = pltpu.async_copy(
        op_hbm.at[:, :, pl.ds(wb, m)], op_v, sem_op)
    for h in rj_waits:
        h.wait()

    specs = _plane_specs()

    def body(g, carry):
        k = g * _L
        for c, out_j, terms in specs:
            acc = None
            for w, arr, jj in terms:
                src = raw_v if arr == "r" else j_v
                v = w * src[c, jj, pl.ds(k, _L)]
                acc = v if acc is None else acc + v
            op_v[c, out_j, pl.ds(k, _L)] = acc
        return carry

    op_wait.wait()
    lax.fori_loop(0, m // _L, body, 0)
    pltpu.sync_copy(op_v, out_hbm.at[:, :, pl.ds(wb, m)])


def kernel(raw, j14, openpose):
    B = raw.shape[0]
    m = B // _NW

    mesh = plsc.VectorSubcoreMesh(core_axis_name="c", subcore_axis_name="s")
    f = functools.partial(
        pl.kernel,
        mesh=mesh,
        compiler_params=pltpu.CompilerParams(needs_layout_passes=False),
        out_type=jax.ShapeDtypeStruct((3, 25, B), jnp.float32),
        scratch_types=[
            pltpu.VMEM((3, 25, m), jnp.float32),
            pltpu.VMEM((3, _RAW_ROWS, m), jnp.float32),
            pltpu.VMEM((3, _J14_ROWS, m), jnp.float32),
            pltpu.SemaphoreType.DMA,
            pltpu.SemaphoreType.DMA,
        ],
    )(_sc_body)
    out = f(
        raw.transpose(2, 1, 0),
        j14.transpose(2, 1, 0),
        openpose.transpose(2, 1, 0),
    )
    return out.transpose(2, 1, 0)

# --- scband reference (transcript-rebuilt; emitter-appended) ---
"""Pipeline reference for scband-virtual-joints-41936060678202 (READ-ONLY COPY).

The authoritative reference and input builder live on the scoring server;
editing this copy changes nothing except your own understanding.
"""

import jax, jax.numpy as jnp
import numpy as np

NECK_UV = 0.3
PELVIS_UV = 0.25
SHOULDER_UV = {"neck": 0.2, "clavicle": 0.5}
HIP_UV = {"hip": 0.6, "pelvis": 0.2}

NECK_W = jnp.array([1.0 - 2.0 * NECK_UV, NECK_UV, NECK_UV], dtype=jnp.float32)[:, None]
PELVIS_W = jnp.array([1.0 - 2.0 * PELVIS_UV, PELVIS_UV, PELVIS_UV], dtype=jnp.float32)[:, None]
SHOULDER_W = jnp.array([1.0 - SHOULDER_UV["neck"] - SHOULDER_UV["clavicle"], SHOULDER_UV["neck"], SHOULDER_UV["clavicle"]], dtype=jnp.float32)[:, None]
HIP_W = jnp.array([HIP_UV["hip"], HIP_UV["pelvis"], 1.0 - HIP_UV["pelvis"] - HIP_UV["hip"]], dtype=jnp.float32)[:, None]
LSHOULDER_IDX = jnp.array([16, 12, 13], dtype=jnp.int32)
RSHOULDER_IDX = jnp.array([17, 12, 14], dtype=jnp.int32)


def setup_inputs(seed: int = 0) -> dict:
    key = jax.random.key(seed)
    k1, k2, k3 = jax.random.split(key, 3)
    B = 16384
    raw = jax.random.normal(k1, (B, 24, 3), dtype=jnp.float32)
    j14 = jax.random.normal(k2, (B, 14, 3), dtype=jnp.float32)
    openpose = jax.random.normal(k3, (B, 25, 3), dtype=jnp.float32)
    return {"raw": raw, "j14": j14, "openpose": openpose}


def reference(raw, j14, openpose):
    pelvis = jnp.sum(raw[:, :3, :] * PELVIS_W[None, :, :], axis=1)
    neck = jnp.sum(raw[:, 12:15, :] * NECK_W[None, :, :], axis=1)
    lshoulder = jnp.sum(jnp.take(raw, LSHOULDER_IDX, axis=1) * SHOULDER_W[None, :, :], axis=1)
    rshoulder = jnp.sum(jnp.take(raw, RSHOULDER_IDX, axis=1) * SHOULDER_W[None, :, :], axis=1)
    lhip = jnp.sum(jnp.stack([raw[:, 1, :], raw[:, 0, :], j14[:, 1, :]], axis=1) * HIP_W[None, :, :], axis=1)
    rhip = jnp.sum(jnp.stack([raw[:, 2, :], raw[:, 0, :], j14[:, 4, :]], axis=1) * HIP_W[None, :, :], axis=1)
    out = openpose
    out = out.at[:, 8, :].set(pelvis)
    out = out.at[:, 1, :].set(neck)
    out = out.at[:, 5, :].set(lshoulder)
    out = out.at[:, 2, :].set(rshoulder)
    out = out.at[:, 12, :].set(lhip)
    out = out.at[:, 9, :].set(rhip)
    return out

if __name__ == "__main__":
    import jax
    _d = setup_inputs()
    print(jax.jit(kernel)(*tuple(_d.values())))

</pallas_src>

<mosaic_0001>
#map = affine_map<(d0, d1) -> (0, 0, 0)>
module attributes {stable_mosaic.version = 14 : i64} {
  func.func @_sc_body(%arg0: i32, %arg1: i32, %arg2: memref<3x24x16384xf32, #tpu.memory_space<hbm>>, %arg3: memref<3x14x16384xf32, #tpu.memory_space<hbm>>, %arg4: memref<3x25x16384xf32, #tpu.memory_space<hbm>>, %arg5: memref<3x25x16384xf32, #tpu.memory_space<hbm>>, %arg6: memref<3x25x512xf32, #tpu.memory_space<vmem>>, %arg7: memref<3x24x512xf32, #tpu.memory_space<vmem>>, %arg8: memref<3x8x512xf32, #tpu.memory_space<vmem>>, %arg9: memref<!tpu.dma_semaphore, #tpu.memory_space<semaphore_mem>>, %arg10: memref<!tpu.dma_semaphore, #tpu.memory_space<semaphore_mem>>) attributes {dimension_semantics = [#tpu.dimension_semantics<core_parallel>, #tpu.dimension_semantics<subcore_parallel>], iteration_bounds = array<i64: 2, 16>, scalar_prefetch = 0 : i64, scratch_operands = 5 : i64, tpu.core_type = #tpu.core_type<sc_vector_subcore>, window_params = [{transform_indices = #map}, {transform_indices = #map}, {transform_indices = #map}, {transform_indices = #map}]} {
    %mul3A = arith.constant 2 : i32
    %mul3A_0 = arith.muli %arg1, %mul3A : i32
    %add3A = arith.addi %mul3A_0, %arg0 : i32
    %mul3A_1 = arith.constant 512 : i32
    %mul3A_2 = arith.muli %add3A, %mul3A_1 : i32
    %dma_start3A = arith.constant 0 : i32
    %dma_start3A_3 = arith.constant 0 : i32
    %dma_start3A_4 = tpu.memref_slice %arg2[%dma_start3A, %dma_start3A_3, %mul3A_2] : memref<3x24x16384xf32, #tpu.memory_space<hbm>> -> memref<3x24x512xf32, #tpu.memory_space<hbm>>
    %dma_start3A_5 = arith.constant 0 : i32
    %dma_start3A_6 = arith.constant 0 : i32
    %dma_start3A_7 = tpu.memref_slice %arg2[%dma_start3A_5, %dma_start3A_6, %mul3A_2] : memref<3x24x16384xf32, #tpu.memory_space<hbm>> -> memref<3x24x512xf32, #tpu.memory_space<hbm>>
    tpu.enqueue_dma source(%dma_start3A_7 : memref<3x24x512xf32, #tpu.memory_space<hbm>>) target(%arg7 : memref<3x24x512xf32, #tpu.memory_space<vmem>>) target_semaphore(%arg9 : memref<!tpu.dma_semaphore, #tpu.memory_space<semaphore_mem>>)
    %dma_start3A_8 = arith.constant 0 : i32
    %dma_start3A_9 = arith.constant 0 : i32
    %dma_start3A_10 = tpu.memref_slice %arg3[%dma_start3A_8, %dma_start3A_9, %mul3A_2] : memref<3x14x16384xf32, #tpu.memory_space<hbm>> -> memref<3x8x512xf32, #tpu.memory_space<hbm>>
    %dma_start3A_11 = arith.constant 0 : i32
    %dma_start3A_12 = arith.constant 0 : i32
    %dma_start3A_13 = tpu.memref_slice %arg3[%dma_start3A_11, %dma_start3A_12, %mul3A_2] : memref<3x14x16384xf32, #tpu.memory_space<hbm>> -> memref<3x8x512xf32, #tpu.memory_space<hbm>>
    tpu.enqueue_dma source(%dma_start3A_13 : memref<3x8x512xf32, #tpu.memory_space<hbm>>) target(%arg8 : memref<3x8x512xf32, #tpu.memory_space<vmem>>) target_semaphore(%arg9 : memref<!tpu.dma_semaphore, #tpu.memory_space<semaphore_mem>>)
    %dma_start3A_14 = arith.constant 0 : i32
    %dma_start3A_15 = arith.constant 0 : i32
    %dma_start3A_16 = tpu.memref_slice %arg4[%dma_start3A_14, %dma_start3A_15, %mul3A_2] : memref<3x25x16384xf32, #tpu.memory_space<hbm>> -> memref<3x25x512xf32, #tpu.memory_space<hbm>>
    %dma_start3A_17 = arith.constant 0 : i32
    %dma_start3A_18 = arith.constant 0 : i32
    %dma_start3A_19 = tpu.memref_slice %arg4[%dma_start3A_17, %dma_start3A_18, %mul3A_2] : memref<3x25x16384xf32, #tpu.memory_space<hbm>> -> memref<3x25x512xf32, #tpu.memory_space<hbm>>
    tpu.enqueue_dma source(%dma_start3A_19 : memref<3x25x512xf32, #tpu.memory_space<hbm>>) target(%arg6 : memref<3x25x512xf32, #tpu.memory_space<vmem>>) target_semaphore(%arg10 : memref<!tpu.dma_semaphore, #tpu.memory_space<semaphore_mem>>)
    %dma_wait3A = arith.constant 0 : i32
    %dma_wait3A_20 = arith.constant 0 : i32
    %dma_wait3A_21 = tpu.memref_slice %arg2[%dma_wait3A, %dma_wait3A_20, %mul3A_2] : memref<3x24x16384xf32, #tpu.memory_space<hbm>> -> memref<3x24x512xf32, #tpu.memory_space<hbm>>
    %dma_wait3A_22 = arith.constant 0 : i32
    %dma_wait3A_23 = arith.constant 0 : i32
    %dma_wait3A_24 = tpu.memref_slice %arg2[%dma_wait3A_22, %dma_wait3A_23, %mul3A_2] : memref<3x24x16384xf32, #tpu.memory_space<hbm>> -> memref<3x24x512xf32, #tpu.memory_space<hbm>>
    tpu.wait_dma2 semaphore(%arg9 : memref<!tpu.dma_semaphore, #tpu.memory_space<semaphore_mem>>) src(%dma_wait3A_24 : memref<3x24x512xf32, #tpu.memory_space<hbm>>) dst(%arg7 : memref<3x24x512xf32, #tpu.memory_space<vmem>>)
    %dma_wait3A_25 = arith.constant 0 : i32
    %dma_wait3A_26 = arith.constant 0 : i32
    %dma_wait3A_27 = tpu.memref_slice %arg3[%dma_wait3A_25, %dma_wait3A_26, %mul3A_2] : memref<3x14x16384xf32, #tpu.memory_space<hbm>> -> memref<3x8x512xf32, #tpu.memory_space<hbm>>
    %dma_wait3A_28 = arith.constant 0 : i32
    %dma_wait3A_29 = arith.constant 0 : i32
    %dma_wait3A_30 = tpu.memref_slice %arg3[%dma_wait3A_28, %dma_wait3A_29, %mul3A_2] : memref<3x14x16384xf32, #tpu.memory_space<hbm>> -> memref<3x8x512xf32, #tpu.memory_space<hbm>>
    tpu.wait_dma2 semaphore(%arg9 : memref<!tpu.dma_semaphore, #tpu.memory_space<semaphore_mem>>) src(%dma_wait3A_30 : memref<3x8x512xf32, #tpu.memory_space<hbm>>) dst(%arg8 : memref<3x8x512xf32, #tpu.memory_space<vmem>>)
    %dma_wait3A_31 = arith.constant 0 : i32
    %dma_wait3A_32 = arith.constant 0 : i32
    %dma_wait3A_33 = tpu.memref_slice %arg4[%dma_wait3A_31, %dma_wait3A_32, %mul3A_2] : memref<3x25x16384xf32, #tpu.memory_space<hbm>> -> memref<3x25x512xf32, #tpu.memory_space<hbm>>
    %dma_wait3A_34 = arith.constant 0 : i32
    %dma_wait3A_35 = arith.constant 0 : i32
    %dma_wait3A_36 = tpu.memref_slice %arg4[%dma_wait3A_34, %dma_wait3A_35, %mul3A_2] : memref<3x25x16384xf32, #tpu.memory_space<hbm>> -> memref<3x25x512xf32, #tpu.memory_space<hbm>>
    tpu.wait_dma2 semaphore(%arg10 : memref<!tpu.dma_semaphore, #tpu.memory_space<semaphore_mem>>) src(%dma_wait3A_36 : memref<3x25x512xf32, #tpu.memory_space<hbm>>) dst(%arg6 : memref<3x25x512xf32, #tpu.memory_space<vmem>>)
    %scan3A = arith.constant 0 : i32
    %scan3A_37 = arith.constant 0 : i32
    %scan3A_38 = arith.constant 32 : i32
    %scan3A_39 = arith.addi %scan3A_37, %scan3A_38 : i32
    %scan3A_40 = arith.constant 1 : i32
    scf.for %scan3A_42 = %scan3A_37 to %scan3A_39 step %scan3A_40  : i32 {
      %mul3A_43 = arith.constant 16 : i32
      %mul3A_44 = arith.muli %scan3A_42, %mul3A_43 : i32
      %get3A = arith.constant 0 : i32
      %get3A_45 = arith.constant 0 : i32
      %get3A_46 = arith.index_cast %get3A : i32 to index
      %get3A_47 = arith.index_cast %get3A_45 : i32 to index
      %get3A_48 = arith.index_cast %mul3A_44 : i32 to index
      %get3A_49 = tpu.vector_load %arg7[%get3A_46, %get3A_47, %get3A_48] {strides = array<i32>} : memref<3x24x512xf32, #tpu.memory_space<vmem>>, vector<16xf32>,
      %mul3A_50 = arith.constant 5.000000e-01 : f32
      %mul3A_51 = vector.broadcast %mul3A_50 : f32 to vector<16xf32>
      %mul3A_52 = arith.mulf %mul3A_51, %get3A_49 : vector<16xf32>
      %get3A_53 = arith.constant 0 : i32
      %get3A_54 = arith.constant 1 : i32
      %get3A_55 = arith.index_cast %get3A_53 : i32 to index
      %get3A_56 = arith.index_cast %get3A_54 : i32 to index
      %get3A_57 = arith.index_cast %mul3A_44 : i32 to index
      %get3A_58 = tpu.vector_load %arg7[%get3A_55, %get3A_56, %get3A_57] {strides = array<i32>} : memref<3x24x512xf32, #tpu.memory_space<vmem>>, vector<16xf32>,
      %mul3A_59 = arith.constant 2.500000e-01 : f32
      %mul3A_60 = vector.broadcast %mul3A_59 : f32 to vector<16xf32>
      %mul3A_61 = arith.mulf %mul3A_60, %get3A_58 : vector<16xf32>
      %add3A_62 = arith.addf %mul3A_52, %mul3A_61 : vector<16xf32>
      %get3A_63 = arith.constant 0 : i32
      %get3A_64 = arith.constant 2 : i32
      %get3A_65 = arith.index_cast %get3A_63 : i32 to index
      %get3A_66 = arith.index_cast %get3A_64 : i32 to index
      %get3A_67 = arith.index_cast %mul3A_44 : i32 to index
      %get3A_68 = tpu.vector_load %arg7[%get3A_65, %get3A_66, %get3A_67] {strides = array<i32>} : memref<3x24x512xf32, #tpu.memory_space<vmem>>, vector<16xf32>,
      %mul3A_69 = arith.constant 2.500000e-01 : f32
      %mul3A_70 = vector.broadcast %mul3A_69 : f32 to vector<16xf32>
      %mul3A_71 = arith.mulf %mul3A_70, %get3A_68 : vector<16xf32>
      %add3A_72 = arith.addf %add3A_62, %mul3A_71 : vector<16xf32>
      %swap3A = arith.constant 0 : i32
      %swap3A_73 = arith.constant 8 : i32
      %swap3A_74 = arith.index_cast %swap3A : i32 to index
      %swap3A_75 = arith.index_cast %swap3A_73 : i32 to index
      %swap3A_76 = arith.index_cast %mul3A_44 : i32 to index
      %swap3A_77 = tpu.vector_load %arg6[%swap3A_74, %swap3A_75, %swap3A_76] {strides = array<i32>} : memref<3x25x512xf32, #tpu.memory_space<vmem>>, vector<16xf32>,
      tpu.vector_store %arg6[%swap3A_74, %swap3A_75, %swap3A_76], %add3A_72 {strides = array<i32>} : memref<3x25x512xf32, #tpu.memory_space<vmem>>, vector<16xf32>,
      %get3A_78 = arith.constant 0 : i32
      %get3A_79 = arith.constant 12 : i32
      %get3A_80 = arith.index_cast %get3A_78 : i32 to index
      %get3A_81 = arith.index_cast %get3A_79 : i32 to index
      %get3A_82 = arith.index_cast %mul3A_44 : i32 to index
      %get3A_83 = tpu.vector_load %arg7[%get3A_80, %get3A_81, %get3A_82] {strides = array<i32>} : memref<3x24x512xf32, #tpu.memory_space<vmem>>, vector<16xf32>,
      %mul3A_84 = arith.constant 4.000000e-01 : f32
      %mul3A_85 = vector.broadcast %mul3A_84 : f32 to vector<16xf32>
      %mul3A_86 = arith.mulf %mul3A_85, %get3A_83 : vector<16xf32>
      %get3A_87 = arith.constant 0 : i32
      %get3A_88 = arith.constant 13 : i32
      %get3A_89 = arith.index_cast %get3A_87 : i32 to index
      %get3A_90 = arith.index_cast %get3A_88 : i32 to index
      %get3A_91 = arith.index_cast %mul3A_44 : i32 to index
      %get3A_92 = tpu.vector_load %arg7[%get3A_89, %get3A_90, %get3A_91] {strides = array<i32>} : memref<3x24x512xf32, #tpu.memory_space<vmem>>, vector<16xf32>,
      %mul3A_93 = arith.constant 3.000000e-01 : f32
      %mul3A_94 = vector.broadcast %mul3A_93 : f32 to vector<16xf32>
      %mul3A_95 = arith.mulf %mul3A_94, %get3A_92 : vector<16xf32>
      %add3A_96 = arith.addf %mul3A_86, %mul3A_95 : vector<16xf32>
      %get3A_97 = arith.constant 0 : i32
      %get3A_98 = arith.constant 14 : i32
      %get3A_99 = arith.index_cast %get3A_97 : i32 to index
      %get3A_100 = arith.index_cast %get3A_98 : i32 to index
      %get3A_101 = arith.index_cast %mul3A_44 : i32 to index
      %get3A_102 = tpu.vector_load %arg7[%get3A_99, %get3A_100, %get3A_101] {strides = array<i32>} : memref<3x24x512xf32, #tpu.memory_space<vmem>>, vector<16xf32>,
      %mul3A_103 = arith.constant 3.000000e-01 : f32
      %mul3A_104 = vector.broadcast %mul3A_103 : f32 to vector<16xf32>
      %mul3A_105 = arith.mulf %mul3A_104, %get3A_102 : vector<16xf32>
      %add3A_106 = arith.addf %add3A_96, %mul3A_105 : vector<16xf32>
      %swap3A_107 = arith.constant 0 : i32
      %swap3A_108 = arith.constant 1 : i32
      %swap3A_109 = arith.index_cast %swap3A_107 : i32 to index
      %swap3A_110 = arith.index_cast %swap3A_108 : i32 to index
      %swap3A_111 = arith.index_cast %mul3A_44 : i32 to index
      %swap3A_112 = tpu.vector_load %arg6[%swap3A_109, %swap3A_110, %swap3A_111] {strides = array<i32>} : memref<3x25x512xf32, #tpu.memory_space<vmem>>, vector<16xf32>,
      tpu.vector_store %arg6[%swap3A_109, %swap3A_110, %swap3A_111], %add3A_106 {strides = array<i32>} : memref<3x25x512xf32, #tpu.memory_space<vmem>>, vector<16xf32>,
      %get3A_113 = arith.constant 0 : i32
      %get3A_114 = arith.constant 16 : i32
      %get3A_115 = arith.index_cast %get3A_113 : i32 to index
      %get3A_116 = arith.index_cast %get3A_114 : i32 to index
      %get3A_117 = arith.index_cast %mul3A_44 : i32 to index
      %get3A_118 = tpu.vector_load %arg7[%get3A_115, %get3A_116, %get3A_117] {strides = array<i32>} : memref<3x24x512xf32, #tpu.memory_space<vmem>>, vector<16xf32>,
      %mul3A_119 = arith.constant 3.000000e-01 : f32
      %mul3A_120 = vector.broadcast %mul3A_119 : f32 to vector<16xf32>
      %mul3A_121 = arith.mulf %mul3A_120, %get3A_118 : vector<16xf32>
      %get3A_122 = arith.constant 0 : i32
      %get3A_123 = arith.constant 12 : i32
      %get3A_124 = arith.index_cast %get3A_122 : i32 to index
      %get3A_125 = arith.index_cast %get3A_123 : i32 to index
      %get3A_126 = arith.index_cast %mul3A_44 : i32 to index
      %get3A_127 = tpu.vector_load %arg7[%get3A_124, %get3A_125, %get3A_126] {strides = array<i32>} : memref<3x24x512xf32, #tpu.memory_space<vmem>>, vector<16xf32>,
      %mul3A_128 = arith.constant 2.000000e-01 : f32
      %mul3A_129 = vector.broadcast %mul3A_128 : f32 to vector<16xf32>
      %mul3A_130 = arith.mulf %mul3A_129, %get3A_127 : vector<16xf32>
      %add3A_131 = arith.addf %mul3A_121, %mul3A_130 : vector<16xf32>
      %get3A_132 = arith.constant 0 : i32
      %get3A_133 = arith.constant 13 : i32
      %get3A_134 = arith.index_cast %get3A_132 : i32 to index
      %get3A_135 = arith.index_cast %get3A_133 : i32 to index
      %get3A_136 = arith.index_cast %mul3A_44 : i32 to index
      %get3A_137 = tpu.vector_load %arg7[%get3A_134, %get3A_135, %get3A_136] {strides = array<i32>} : memref<3x24x512xf32, #tpu.memory_space<vmem>>, vector<16xf32>,
      %mul3A_138 = arith.constant 5.000000e-01 : f32
      %mul3A_139 = vector.broadcast %mul3A_138 : f32 to vector<16xf32>
      %mul3A_140 = arith.mulf %mul3A_139, %get3A_137 : vector<16xf32>
      %add3A_141 = arith.addf %add3A_131, %mul3A_140 : vector<16xf32>
      %swap3A_142 = arith.constant 0 : i32
      %swap3A_143 = arith.constant 5 : i32
      %swap3A_144 = arith.index_cast %swap3A_142 : i32 to index
      %swap3A_145 = arith.index_cast %swap3A_143 : i32 to index
      %swap3A_146 = arith.index_cast %mul3A_44 : i32 to index
      %swap3A_147 = tpu.vector_load %arg6[%swap3A_144, %swap3A_145, %swap3A_146] {strides = array<i32>} : memref<3x25x512xf32, #tpu.memory_space<vmem>>, vector<16xf32>,
      tpu.vector_store %arg6[%swap3A_144, %swap3A_145, %swap3A_146], %add3A_141 {strides = array<i32>} : memref<3x25x512xf32, #tpu.memory_space<vmem>>, vector<16xf32>,
      %get3A_148 = arith.constant 0 : i32
      %get3A_149 = arith.constant 17 : i32
      %get3A_150 = arith.index_cast %get3A_148 : i32 to index
      %get3A_151 = arith.index_cast %get3A_149 : i32 to index
      %get3A_152 = arith.index_cast %mul3A_44 : i32 to index
      %get3A_153 = tpu.vector_load %arg7[%get3A_150, %get3A_151, %get3A_152] {strides = array<i32>} : memref<3x24x512xf32, #tpu.memory_space<vmem>>, vector<16xf32>,
      %mul3A_154 = arith.constant 3.000000e-01 : f32
      %mul3A_155 = vector.broadcast %mul3A_154 : f32 to vector<16xf32>
      %mul3A_156 = arith.mulf %mul3A_155, %get3A_153 : vector<16xf32>
      %get3A_157 = arith.constant 0 : i32
      %get3A_158 = arith.constant 12 : i32
      %get3A_159 = arith.index_cast %get3A_157 : i32 to index
      %get3A_160 = arith.index_cast %get3A_158 : i32 to index
      %get3A_161 = arith.index_cast %mul3A_44 : i32 to index
      %get3A_162 = tpu.vector_load %arg7[%get3A_159, %get3A_160, %get3A_161] {strides = array<i32>} : memref<3x24x512xf32, #tpu.memory_space<vmem>>, vector<16xf32>,
      %mul3A_163 = arith.constant 2.000000e-01 : f32
      %mul3A_164 = vector.broadcast %mul3A_163 : f32 to vector<16xf32>
      %mul3A_165 = arith.mulf %mul3A_164, %get3A_162 : vector<16xf32>
      %add3A_166 = arith.addf %mul3A_156, %mul3A_165 : vector<16xf32>
      %get3A_167 = arith.constant 0 : i32
      %get3A_168 = arith.constant 14 : i32
      %get3A_169 = arith.index_cast %get3A_167 : i32 to index
      %get3A_170 = arith.index_cast %get3A_168 : i32 to index
      %get3A_171 = arith.index_cast %mul3A_44 : i32 to index
      %get3A_172 = tpu.vector_load %arg7[%get3A_169, %get3A_170, %get3A_171] {strides = array<i32>} : memref<3x24x512xf32, #tpu.memory_space<vmem>>, vector<16xf32>,
      %mul3A_173 = arith.constant 5.000000e-01 : f32
      %mul3A_174 = vector.broadcast %mul3A_173 : f32 to vector<16xf32>
      %mul3A_175 = arith.mulf %mul3A_174, %get3A_172 : vector<16xf32>
      %add3A_176 = arith.addf %add3A_166, %mul3A_175 : vector<16xf32>
      %swap3A_177 = arith.constant 0 : i32
      %swap3A_178 = arith.constant 2 : i32
      %swap3A_179 = arith.index_cast %swap3A_177 : i32 to index
      %swap3A_180 = arith.index_cast %swap3A_178 : i32 to index
      %swap3A_181 = arith.index_cast %mul3A_44 : i32 to index
      %swap3A_182 = tpu.vector_load %arg6[%swap3A_179, %swap3A_180, %swap3A_181] {strides = array<i32>} : memref<3x25x512xf32, #tpu.memory_space<vmem>>, vector<16xf32>,
      tpu.vector_store %arg6[%swap3A_179, %swap3A_180, %swap3A_181], %add3A_176 {strides = array<i32>} : memref<3x25x512xf32, #tpu.memory_space<vmem>>, vector<16xf32>,
      %get3A_183 = arith.constant 0 : i32
      %get3A_184 = arith.constant 1 : i32
      %get3A_185 = arith.index_cast %get3A_183 : i32 to index
      %get3A_186 = arith.index_cast %get3A_184 : i32 to index
      %get3A_187 = arith.index_cast %mul3A_44 : i32 to index
      %get3A_188 = tpu.vector_load %arg7[%get3A_185, %get3A_186, %get3A_187] {strides = array<i32>} : memref<3x24x512xf32, #tpu.memory_space<vmem>>, vector<16xf32>,
      %mul3A_189 = arith.constant 6.000000e-01 : f32
      %mul3A_190 = vector.broadcast %mul3A_189 : f32 to vector<16xf32>
      %mul3A_191 = arith.mulf %mul3A_190, %get3A_188 : vector<16xf32>
      %get3A_192 = arith.constant 0 : i32
      %get3A_193 = arith.constant 0 : i32
      %get3A_194 = arith.index_cast %get3A_192 : i32 to index
      %get3A_195 = arith.index_cast %get3A_193 : i32 to index
      %get3A_196 = arith.index_cast %mul3A_44 : i32 to index
      %get3A_197 = tpu.vector_load %arg7[%get3A_194, %get3A_195, %get3A_196] {strides = array<i32>} : memref<3x24x512xf32, #tpu.memory_space<vmem>>, vector<16xf32>,
      %mul3A_198 = arith.constant 2.000000e-01 : f32
      %mul3A_199 = vector.broadcast %mul3A_198 : f32 to vector<16xf32>
      %mul3A_200 = arith.mulf %mul3A_199, %get3A_197 : vector<16xf32>
      %add3A_201 = arith.addf %mul3A_191, %mul3A_200 : vector<16xf32>
      %get3A_202 = arith.constant 0 : i32
      %get3A_203 = arith.constant 1 : i32
      %get3A_204 = arith.index_cast %get3A_202 : i32 to index
      %get3A_205 = arith.index_cast %get3A_203 : i32 to index
      %get3A_206 = arith.index_cast %mul3A_44 : i32 to index
      %get3A_207 = tpu.vector_load %arg8[%get3A_204, %get3A_205, %get3A_206] {strides = array<i32>} : memref<3x8x512xf32, #tpu.memory_space<vmem>>, vector<16xf32>,
      %mul3A_208 = arith.constant 2.000000e-01 : f32
      %mul3A_209 = vector.broadcast %mul3A_208 : f32 to vector<16xf32>
      %mul3A_210 = arith.mulf %mul3A_209, %get3A_207 : vector<16xf32>
      %add3A_211 = arith.addf %add3A_201, %mul3A_210 : vector<16xf32>
      %swap3A_212 = arith.constant 0 : i32
      %swap3A_213 = arith.constant 12 : i32
      %swap3A_214 = arith.index_cast %swap3A_212 : i32 to index
      %swap3A_215 = arith.index_cast %swap3A_213 : i32 to index
      %swap3A_216 = arith.index_cast %mul3A_44 : i32 to index
      %swap3A_217 = tpu.vector_load %arg6[%swap3A_214, %swap3A_215, %swap3A_216] {strides = array<i32>} : memref<3x25x512xf32, #tpu.memory_space<vmem>>, vector<16xf32>,
      tpu.vector_store %arg6[%swap3A_214, %swap3A_215, %swap3A_216], %add3A_211 {strides = array<i32>} : memref<3x25x512xf32, #tpu.memory_space<vmem>>, vector<16xf32>,
      %get3A_218 = arith.constant 0 : i32
      %get3A_219 = arith.constant 2 : i32
      %get3A_220 = arith.index_cast %get3A_218 : i32 to index
      %get3A_221 = arith.index_cast %get3A_219 : i32 to index
      %get3A_222 = arith.index_cast %mul3A_44 : i32 to index
      %get3A_223 = tpu.vector_load %arg7[%get3A_220, %get3A_221, %get3A_222] {strides = array<i32>} : memref<3x24x512xf32, #tpu.memory_space<vmem>>, vector<16xf32>,
      %mul3A_224 = arith.constant 6.000000e-01 : f32
      %mul3A_225 = vector.broadcast %mul3A_224 : f32 to vector<16xf32>
      %mul3A_226 = arith.mulf %mul3A_225, %get3A_223 : vector<16xf32>
      %get3A_227 = arith.constant 0 : i32
      %get3A_228 = arith.constant 0 : i32
      %get3A_229 = arith.index_cast %get3A_227 : i32 to index
      %get3A_230 = arith.index_cast %get3A_228 : i32 to index
      %get3A_231 = arith.index_cast %mul3A_44 : i32 to index
      %get3A_232 = tpu.vector_load %arg7[%get3A_229, %get3A_230, %get3A_231] {strides = array<i32>} : memref<3x24x512xf32, #tpu.memory_space<vmem>>, vector<16xf32>,
      %mul3A_233 = arith.constant 2.000000e-01 : f32
      %mul3A_234 = vector.broadcast %mul3A_233 : f32 to vector<16xf32>
      %mul3A_235 = arith.mulf %mul3A_234, %get3A_232 : vector<16xf32>
      %add3A_236 = arith.addf %mul3A_226, %mul3A_235 : vector<16xf32>
      %get3A_237 = arith.constant 0 : i32
      %get3A_238 = arith.constant 4 : i32
      %get3A_239 = arith.index_cast %get3A_237 : i32 to index
      %get3A_240 = arith.index_cast %get3A_238 : i32 to index
      %get3A_241 = arith.index_cast %mul3A_44 : i32 to index
      %get3A_242 = tpu.vector_load %arg8[%get3A_239, %get3A_240, %get3A_241] {strides = array<i32>} : memref<3x8x512xf32, #tpu.memory_space<vmem>>, vector<16xf32>,
      %mul3A_243 = arith.constant 2.000000e-01 : f32
      %mul3A_244 = vector.broadcast %mul3A_243 : f32 to vector<16xf32>
      %mul3A_245 = arith.mulf %mul3A_244, %get3A_242 : vector<16xf32>
      %add3A_246 = arith.addf %add3A_236, %mul3A_245 : vector<16xf32>
      %swap3A_247 = arith.constant 0 : i32
      %swap3A_248 = arith.constant 9 : i32
      %swap3A_249 = arith.index_cast %swap3A_247 : i32 to index
      %swap3A_250 = arith.index_cast %swap3A_248 : i32 to index
      %swap3A_251 = arith.index_cast %mul3A_44 : i32 to index
      %swap3A_252 = tpu.vector_load %arg6[%swap3A_249, %swap3A_250, %swap3A_251] {strides = array<i32>} : memref<3x25x512xf32, #tpu.memory_space<vmem>>, vector<16xf32>,
      tpu.vector_store %arg6[%swap3A_249, %swap3A_250, %swap3A_251], %add3A_246 {strides = array<i32>} : memref<3x25x512xf32, #tpu.memory_space<vmem>>, vector<16xf32>,
      %get3A_253 = arith.constant 1 : i32
      %get3A_254 = arith.constant 0 : i32
      %get3A_255 = arith.index_cast %get3A_253 : i32 to index
      %get3A_256 = arith.index_cast %get3A_254 : i32 to index
      %get3A_257 = arith.index_cast %mul3A_44 : i32 to index
      %get3A_258 = tpu.vector_load %arg7[%get3A_255, %get3A_256, %get3A_257] {strides = array<i32>} : memref<3x24x512xf32, #tpu.memory_space<vmem>>, vector<16xf32>,
      %mul3A_259 = arith.constant 5.000000e-01 : f32
      %mul3A_260 = vector.broadcast %mul3A_259 : f32 to vector<16xf32>
      %mul3A_261 = arith.mulf %mul3A_260, %get3A_258 : vector<16xf32>
      %get3A_262 = arith.constant 1 : i32
      %get3A_263 = arith.constant 1 : i32
      %get3A_264 = arith.index_cast %get3A_262 : i32 to index
      %get3A_265 = arith.index_cast %get3A_263 : i32 to index
      %get3A_266 = arith.index_cast %mul3A_44 : i32 to index
      %get3A_267 = tpu.vector_load %arg7[%get3A_264, %get3A_265, %get3A_266] {strides = array<i32>} : memref<3x24x512xf32, #tpu.memory_space<vmem>>, vector<16xf32>,
      %mul3A_268 = arith.constant 2.500000e-01 : f32
      %mul3A_269 = vector.broadcast %mul3A_268 : f32 to vector<16xf32>
      %mul3A_270 = arith.mulf %mul3A_269, %get3A_267 : vector<16xf32>
      %add3A_271 = arith.addf %mul3A_261, %mul3A_270 : vector<16xf32>
      %get3A_272 = arith.constant 1 : i32
      %get3A_273 = arith.constant 2 : i32
      %get3A_274 = arith.index_cast %get3A_272 : i32 to index
      %get3A_275 = arith.index_cast %get3A_273 : i32 to index
      %get3A_276 = arith.index_cast %mul3A_44 : i32 to index
      %get3A_277 = tpu.vector_load %arg7[%get3A_274, %get3A_275, %get3A_276] {strides = array<i32>} : memref<3x24x512xf32, #tpu.memory_space<vmem>>, vector<16xf32>,
      %mul3A_278 = arith.constant 2.500000e-01 : f32
      %mul3A_279 = vector.broadcast %mul3A_278 : f32 to vector<16xf32>
      %mul3A_280 = arith.mulf %mul3A_279, %get3A_277 : vector<16xf32>
      %add3A_281 = arith.addf %add3A_271, %mul3A_280 : vector<16xf32>
      %swap3A_282 = arith.constant 1 : i32
      %swap3A_283 = arith.constant 8 : i32
      %swap3A_284 = arith.index_cast %swap3A_282 : i32 to index
      %swap3A_285 = arith.index_cast %swap3A_283 : i32 to index
      %swap3A_286 = arith.index_cast %mul3A_44 : i32 to index
      %swap3A_287 = tpu.vector_load %arg6[%swap3A_284, %swap3A_285, %swap3A_286] {strides = array<i32>} : memref<3x25x512xf32, #tpu.memory_space<vmem>>, vector<16xf32>,
      tpu.vector_store %arg6[%swap3A_284, %swap3A_285, %swap3A_286], %add3A_281 {strides = array<i32>} : memref<3x25x512xf32, #tpu.memory_space<vmem>>, vector<16xf32>,
      %get3A_288 = arith.constant 1 : i32
      %get3A_289 = arith.constant 12 : i32
      %get3A_290 = arith.index_cast %get3A_288 : i32 to index
      %get3A_291 = arith.index_cast %get3A_289 : i32 to index
      %get3A_292 = arith.index_cast %mul3A_44 : i32 to index
      %get3A_293 = tpu.vector_load %arg7[%get3A_290, %get3A_291, %get3A_292] {strides = array<i32>} : memref<3x24x512xf32, #tpu.memory_space<vmem>>, vector<16xf32>,
      %mul3A_294 = arith.constant 4.000000e-01 : f32
      %mul3A_295 = vector.broadcast %mul3A_294 : f32 to vector<16xf32>
      %mul3A_296 = arith.mulf %mul3A_295, %get3A_293 : vector<16xf32>
      %get3A_297 = arith.constant 1 : i32
      %get3A_298 = arith.constant 13 : i32
      %get3A_299 = arith.index_cast %get3A_297 : i32 to index
      %get3A_300 = arith.index_cast %get3A_298 : i32 to index
      %get3A_301 = arith.index_cast %mul3A_44 : i32 to index
      %get3A_302 = tpu.vector_load %arg7[%get3A_299, %get3A_300, %get3A_301] {strides = array<i32>} : memref<3x24x512xf32, #tpu.memory_space<vmem>>, vector<16xf32>,
      %mul3A_303 = arith.constant 3.000000e-01 : f32
      %mul3A_304 = vector.broadcast %mul3A_303 : f32 to vector<16xf32>
      %mul3A_305 = arith.mulf %mul3A_304, %get3A_302 : vector<16xf32>
      %add3A_306 = arith.addf %mul3A_296, %mul3A_305 : vector<16xf32>
      %get3A_307 = arith.constant 1 : i32
      %get3A_308 = arith.constant 14 : i32
      %get3A_309 = arith.index_cast %get3A_307 : i32 to index
      %get3A_310 = arith.index_cast %get3A_308 : i32 to index
      %get3A_311 = arith.index_cast %mul3A_44 : i32 to index
      %get3A_312 = tpu.vector_load %arg7[%get3A_309, %get3A_310, %get3A_311] {strides = array<i32>} : memref<3x24x512xf32, #tpu.memory_space<vmem>>, vector<16xf32>,
      %mul3A_313 = arith.constant 3.000000e-01 : f32
      %mul3A_314 = vector.broadcast %mul3A_313 : f32 to vector<16xf32>
      %mul3A_315 = arith.mulf %mul3A_314, %get3A_312 : vector<16xf32>
      %add3A_316 = arith.addf %add3A_306, %mul3A_315 : vector<16xf32>
      %swap3A_317 = arith.constant 1 : i32
      %swap3A_318 = arith.constant 1 : i32
      %swap3A_319 = arith.index_cast %swap3A_317 : i32 to index
      %swap3A_320 = arith.index_cast %swap3A_318 : i32 to index
      %swap3A_321 = arith.index_cast %mul3A_44 : i32 to index
      %swap3A_322 = tpu.vector_load %arg6[%swap3A_319, %swap3A_320, %swap3A_321] {strides = array<i32>} : memref<3x25x512xf32, #tpu.memory_space<vmem>>, vector<16xf32>,
      tpu.vector_store %arg6[%swap3A_319, %swap3A_320, %swap3A_321], %add3A_316 {strides = array<i32>} : memref<3x25x512xf32, #tpu.memory_space<vmem>>, vector<16xf32>,
      %get3A_323 = arith.constant 1 : i32
      %get3A_324 = arith.constant 16 : i32
      %get3A_325 = arith.index_cast %get3A_323 : i32 to index
      %get3A_326 = arith.index_cast %get3A_324 : i32 to index
      %get3A_327 = arith.index_cast %mul3A_44 : i32 to index
      %get3A_328 = tpu.vector_load %arg7[%get3A_325, %get3A_326, %get3A_327] {strides = array<i32>} : memref<3x24x512xf32, #tpu.memory_space<vmem>>, vector<16xf32>,
      %mul3A_329 = arith.constant 3.000000e-01 : f32
      %mul3A_330 = vector.broadcast %mul3A_329 : f32 to vector<16xf32>
      %mul3A_331 = arith.mulf %mul3A_330, %get3A_328 : vector<16xf32>
      %get3A_332 = arith.constant 1 : i32
      %get3A_333 = arith.constant 12 : i32
      %get3A_334 = arith.index_cast %get3A_332 : i32 to index
      %get3A_335 = arith.index_cast %get3A_333 : i32 to index
      %get3A_336 = arith.index_cast %mul3A_44 : i32 to index
      %get3A_337 = tpu.vector_load %arg7[%get3A_334, %get3A_335, %get3A_336] {strides = array<i32>} : memref<3x24x512xf32, #tpu.memory_space<vmem>>, vector<16xf32>,
      %mul3A_338 = arith.constant 2.000000e-01 : f32
      %mul3A_339 = vector.broadcast %mul3A_338 : f32 to vector<16xf32>
      %mul3A_340 = arith.mulf %mul3A_339, %get3A_337 : vector<16xf32>
      %add3A_341 = arith.addf %mul3A_331, %mul3A_340 : vector<16xf32>
      %get3A_342 = arith.constant 1 : i32
      %get3A_343 = arith.constant 13 : i32
      %get3A_344 = arith.index_cast %get3A_342 : i32 to index
      %get3A_345 = arith.index_cast %get3A_343 : i32 to index
      %get3A_346 = arith.index_cast %mul3A_44 : i32 to index
      %get3A_347 = tpu.vector_load %arg7[%get3A_344, %get3A_345, %get3A_346] {strides = array<i32>} : memref<3x24x512xf32, #tpu.memory_space<vmem>>, vector<16xf32>,
      %mul3A_348 = arith.constant 5.000000e-01 : f32
      %mul3A_349 = vector.broadcast %mul3A_348 : f32 to vector<16xf32>
      %mul3A_350 = arith.mulf %mul3A_349, %get3A_347 : vector<16xf32>
      %add3A_351 = arith.addf %add3A_341, %mul3A_350 : vector<16xf32>
      %swap3A_352 = arith.constant 1 : i32
      %swap3A_353 = arith.constant 5 : i32
      %swap3A_354 = arith.index_cast %swap3A_352 : i32 to index
      %swap3A_355 = arith.index_cast %swap3A_353 : i32 to index
      %swap3A_356 = arith.index_cast %mul3A_44 : i32 to index
      %swap3A_357 = tpu.vector_load %arg6[%swap3A_354, %swap3A_355, %swap3A_356] {strides = array<i32>} : memref<3x25x512xf32, #tpu.memory_space<vmem>>, vector<16xf32>,
      tpu.vector_store %arg6[%swap3A_354, %swap3A_355, %swap3A_356], %add3A_351 {strides = array<i32>} : memref<3x25x512xf32, #tpu.memory_space<vmem>>, vector<16xf32>,
      %get3A_358 = arith.constant 1 : i32
      %get3A_359 = arith.constant 17 : i32
      %get3A_360 = arith.index_cast %get3A_358 : i32 to index
      %get3A_361 = arith.index_cast %get3A_359 : i32 to index
      %get3A_362 = arith.index_cast %mul3A_44 : i32 to index
      %get3A_363 = tpu.vector_load %arg7[%get3A_360, %get3A_361, %get3A_362] {strides = array<i32>} : memref<3x24x512xf32, #tpu.memory_space<vmem>>, vector<16xf32>,
      %mul3A_364 = arith.constant 3.000000e-01 : f32
      %mul3A_365 = vector.broadcast %mul3A_364 : f32 to vector<16xf32>
      %mul3A_366 = arith.mulf %mul3A_365, %get3A_363 : vector<16xf32>
      %get3A_367 = arith.constant 1 : i32
      %get3A_368 = arith.constant 12 : i32
      %get3A_369 = arith.index_cast %get3A_367 : i32 to index
      %get3A_370 = arith.index_cast %get3A_368 : i32 to index
      %get3A_371 = arith.index_cast %mul3A_44 : i32 to index
      %get3A_372 = tpu.vector_load %arg7[%get3A_369, %get3A_370, %get3A_371] {strides = array<i32>} : memref<3x24x512xf32, #tpu.memory_space<vmem>>, vector<16xf32>,
      %mul3A_373 = arith.constant 2.000000e-01 : f32
      %mul3A_374 = vector.broadcast %mul3A_373 : f32 to vector<16xf32>
      %mul3A_375 = arith.mulf %mul3A_374, %get3A_372 : vector<16xf32>
      %add3A_376 = arith.addf %mul3A_366, %mul3A_375 : vector<16xf32>
      %get3A_377 = arith.constant 1 : i32
      %get3A_378 = arith.constant 14 : i32
      %get3A_379 = arith.index_cast %get3A_377 : i32 to index
      %get3A_380 = arith.index_cast %get3A_378 : i32 to index
      %get3A_381 = arith.index_cast %mul3A_44 : i32 to index
      %get3A_382 = tpu.vector_load %arg7[%get3A_379, %get3A_380, %get3A_381] {strides = array<i32>} : memref<3x24x512xf32, #tpu.memory_space<vmem>>, vector<16xf32>,
      %mul3A_383 = arith.constant 5.000000e-01 : f32
      %mul3A_384 = vector.broadcast %mul3A_383 : f32 to vector<16xf32>
      %mul3A_385 = arith.mulf %mul3A_384, %get3A_382 : vector<16xf32>
      %add3A_386 = arith.addf %add3A_376, %mul3A_385 : vector<16xf32>
      %swap3A_387 = arith.constant 1 : i32
      %swap3A_388 = arith.constant 2 : i32
      %swap3A_389 = arith.index_cast %swap3A_387 : i32 to index
      %swap3A_390 = arith.index_cast %swap3A_388 : i32 to index
      %swap3A_391 = arith.index_cast %mul3A_44 : i32 to index
      %swap3A_392 = tpu.vector_load %arg6[%swap3A_389, %swap3A_390, %swap3A_391] {strides = array<i32>} : memref<3x25x512xf32, #tpu.memory_space<vmem>>, vector<16xf32>,
      tpu.vector_store %arg6[%swap3A_389, %swap3A_390, %swap3A_391], %add3A_386 {strides = array<i32>} : memref<3x25x512xf32, #tpu.memory_space<vmem>>, vector<16xf32>,
      %get3A_393 = arith.constant 1 : i32
      %get3A_394 = arith.constant 1 : i32
      %get3A_395 = arith.index_cast %get3A_393 : i32 to index
      %get3A_396 = arith.index_cast %get3A_394 : i32 to index
      %get3A_397 = arith.index_cast %mul3A_44 : i32 to index
      %get3A_398 = tpu.vector_load %arg7[%get3A_395, %get3A_396, %get3A_397] {strides = array<i32>} : memref<3x24x512xf32, #tpu.memory_space<vmem>>, vector<16xf32>,
      %mul3A_399 = arith.constant 6.000000e-01 : f32
      %mul3A_400 = vector.broadcast %mul3A_399 : f32 to vector<16xf32>
      %mul3A_401 = arith.mulf %mul3A_400, %get3A_398 : vector<16xf32>
      %get3A_402 = arith.constant 1 : i32
      %get3A_403 = arith.constant 0 : i32
      %get3A_404 = arith.index_cast %get3A_402 : i32 to index
      %get3A_405 = arith.index_cast %get3A_403 : i32 to index
      %get3A_406 = arith.index_cast %mul3A_44 : i32 to index
      %get3A_407 = tpu.vector_load %arg7[%get3A_404, %get3A_405, %get3A_406] {strides = array<i32>} : memref<3x24x512xf32, #tpu.memory_space<vmem>>, vector<16xf32>,
      %mul3A_408 = arith.constant 2.000000e-01 : f32
      %mul3A_409 = vector.broadcast %mul3A_408 : f32 to vector<16xf32>
      %mul3A_410 = arith.mulf %mul3A_409, %get3A_407 : vector<16xf32>
      %add3A_411 = arith.addf %mul3A_401, %mul3A_410 : vector<16xf32>
      %get3A_412 = arith.constant 1 : i32
      %get3A_413 = arith.constant 1 : i32
      %get3A_414 = arith.index_cast %get3A_412 : i32 to index
      %get3A_415 = arith.index_cast %get3A_413 : i32 to index
      %get3A_416 = arith.index_cast %mul3A_44 : i32 to index
      %get3A_417 = tpu.vector_load %arg8[%get3A_414, %get3A_415, %get3A_416] {strides = array<i32>} : memref<3x8x512xf32, #tpu.memory_space<vmem>>, vector<16xf32>,
      %mul3A_418 = arith.constant 2.000000e-01 : f32
      %mul3A_419 = vector.broadcast %mul3A_418 : f32 to vector<16xf32>
      %mul3A_420 = arith.mulf %mul3A_419, %get3A_417 : vector<16xf32>
      %add3A_421 = arith.addf %add3A_411, %mul3A_420 : vector<16xf32>
      %swap3A_422 = arith.constant 1 : i32
      %swap3A_423 = arith.constant 12 : i32
      %swap3A_424 = arith.index_cast %swap3A_422 : i32 to index
      %swap3A_425 = arith.index_cast %swap3A_423 : i32 to index
      %swap3A_426 = arith.index_cast %mul3A_44 : i32 to index
      %swap3A_427 = tpu.vector_load %arg6[%swap3A_424, %swap3A_425, %swap3A_426] {strides = array<i32>} : memref<3x25x512xf32, #tpu.memory_space<vmem>>, vector<16xf32>,
      tpu.vector_store %arg6[%swap3A_424, %swap3A_425, %swap3A_426], %add3A_421 {strides = array<i32>} : memref<3x25x512xf32, #tpu.memory_space<vmem>>, vector<16xf32>,
      %get3A_428 = arith.constant 1 : i32
      %get3A_429 = arith.constant 2 : i32
      %get3A_430 = arith.index_cast %get3A_428 : i32 to index
      %get3A_431 = arith.index_cast %get3A_429 : i32 to index
      %get3A_432 = arith.index_cast %mul3A_44 : i32 to index
      %get3A_433 = tpu.vector_load %arg7[%get3A_430, %get3A_431, %get3A_432] {strides = array<i32>} : memref<3x24x512xf32, #tpu.memory_space<vmem>>, vector<16xf32>,
      %mul3A_434 = arith.constant 6.000000e-01 : f32
      %mul3A_435 = vector.broadcast %mul3A_434 : f32 to vector<16xf32>
      %mul3A_436 = arith.mulf %mul3A_435, %get3A_433 : vector<16xf32>
      %get3A_437 = arith.constant 1 : i32
      %get3A_438 = arith.constant 0 : i32
      %get3A_439 = arith.index_cast %get3A_437 : i32 to index
      %get3A_440 = arith.index_cast %get3A_438 : i32 to index
      %get3A_441 = arith.index_cast %mul3A_44 : i32 to index
      %get3A_442 = tpu.vector_load %arg7[%get3A_439, %get3A_440, %get3A_441] {strides = array<i32>} : memref<3x24x512xf32, #tpu.memory_space<vmem>>, vector<16xf32>,
      %mul3A_443 = arith.constant 2.000000e-01 : f32
      %mul3A_444 = vector.broadcast %mul3A_443 : f32 to vector<16xf32>
      %mul3A_445 = arith.mulf %mul3A_444, %get3A_442 : vector<16xf32>
      %add3A_446 = arith.addf %mul3A_436, %mul3A_445 : vector<16xf32>
      %get3A_447 = arith.constant 1 : i32
      %get3A_448 = arith.constant 4 : i32
      %get3A_449 = arith.index_cast %get3A_447 : i32 to index
      %get3A_450 = arith.index_cast %get3A_448 : i32 to index
      %get3A_451 = arith.index_cast %mul3A_44 : i32 to index
      %get3A_452 = tpu.vector_load %arg8[%get3A_449, %get3A_450, %get3A_451] {strides = array<i32>} : memref<3x8x512xf32, #tpu.memory_space<vmem>>, vector<16xf32>,
      %mul3A_453 = arith.constant 2.000000e-01 : f32
      %mul3A_454 = vector.broadcast %mul3A_453 : f32 to vector<16xf32>
      %mul3A_455 = arith.mulf %mul3A_454, %get3A_452 : vector<16xf32>
      %add3A_456 = arith.addf %add3A_446, %mul3A_455 : vector<16xf32>
      %swap3A_457 = arith.constant 1 : i32
      %swap3A_458 = arith.constant 9 : i32
      %swap3A_459 = arith.index_cast %swap3A_457 : i32 to index
      %swap3A_460 = arith.index_cast %swap3A_458 : i32 to index
      %swap3A_461 = arith.index_cast %mul3A_44 : i32 to index
      %swap3A_462 = tpu.vector_load %arg6[%swap3A_459, %swap3A_460, %swap3A_461] {strides = array<i32>} : memref<3x25x512xf32, #tpu.memory_space<vmem>>, vector<16xf32>,
      tpu.vector_store %arg6[%swap3A_459, %swap3A_460, %swap3A_461], %add3A_456 {strides = array<i32>} : memref<3x25x512xf32, #tpu.memory_space<vmem>>, vector<16xf32>,
      %get3A_463 = arith.constant 2 : i32
      %get3A_464 = arith.constant 0 : i32
      %get3A_465 = arith.index_cast %get3A_463 : i32 to index
      %get3A_466 = arith.index_cast %get3A_464 : i32 to index
      %get3A_467 = arith.index_cast %mul3A_44 : i32 to index
      %get3A_468 = tpu.vector_load %arg7[%get3A_465, %get3A_466, %get3A_467] {strides = array<i32>} : memref<3x24x512xf32, #tpu.memory_space<vmem>>, vector<16xf32>,
      %mul3A_469 = arith.constant 5.000000e-01 : f32
      %mul3A_470 = vector.broadcast %mul3A_469 : f32 to vector<16xf32>
      %mul3A_471 = arith.mulf %mul3A_470, %get3A_468 : vector<16xf32>
      %get3A_472 = arith.constant 2 : i32
      %get3A_473 = arith.constant 1 : i32
      %get3A_474 = arith.index_cast %get3A_472 : i32 to index
      %get3A_475 = arith.index_cast %get3A_473 : i32 to index
      %get3A_476 = arith.index_cast %mul3A_44 : i32 to index
      %get3A_477 = tpu.vector_load %arg7[%get3A_474, %get3A_475, %get3A_476] {strides = array<i32>} : memref<3x24x512xf32, #tpu.memory_space<vmem>>, vector<16xf32>,
      %mul3A_478 = arith.constant 2.500000e-01 : f32
      %mul3A_479 = vector.broadcast %mul3A_478 : f32 to vector<16xf32>
      %mul3A_480 = arith.mulf %mul3A_479, %get3A_477 : vector<16xf32>
      %add3A_481 = arith.addf %mul3A_471, %mul3A_480 : vector<16xf32>
      %get3A_482 = arith.constant 2 : i32
      %get3A_483 = arith.constant 2 : i32
      %get3A_484 = arith.index_cast %get3A_482 : i32 to index
      %get3A_485 = arith.index_cast %get3A_483 : i32 to index
      %get3A_486 = arith.index_cast %mul3A_44 : i32 to index
      %get3A_487 = tpu.vector_load %arg7[%get3A_484, %get3A_485, %get3A_486] {strides = array<i32>} : memref<3x24x512xf32, #tpu.memory_space<vmem>>, vector<16xf32>,
      %mul3A_488 = arith.constant 2.500000e-01 : f32
      %mul3A_489 = vector.broadcast %mul3A_488 : f32 to vector<16xf32>
      %mul3A_490 = arith.mulf %mul3A_489, %get3A_487 : vector<16xf32>
      %add3A_491 = arith.addf %add3A_481, %mul3A_490 : vector<16xf32>
      %swap3A_492 = arith.constant 2 : i32
      %swap3A_493 = arith.constant 8 : i32
      %swap3A_494 = arith.index_cast %swap3A_492 : i32 to index
      %swap3A_495 = arith.index_cast %swap3A_493 : i32 to index
      %swap3A_496 = arith.index_cast %mul3A_44 : i32 to index
      %swap3A_497 = tpu.vector_load %arg6[%swap3A_494, %swap3A_495, %swap3A_496] {strides = array<i32>} : memref<3x25x512xf32, #tpu.memory_space<vmem>>, vector<16xf32>,
      tpu.vector_store %arg6[%swap3A_494, %swap3A_495, %swap3A_496], %add3A_491 {strides = array<i32>} : memref<3x25x512xf32, #tpu.memory_space<vmem>>, vector<16xf32>,
      %get3A_498 = arith.constant 2 : i32
      %get3A_499 = arith.constant 12 : i32
      %get3A_500 = arith.index_cast %get3A_498 : i32 to index
      %get3A_501 = arith.index_cast %get3A_499 : i32 to index
      %get3A_502 = arith.index_cast %mul3A_44 : i32 to index
      %get3A_503 = tpu.vector_load %arg7[%get3A_500, %get3A_501, %get3A_502] {strides = array<i32>} : memref<3x24x512xf32, #tpu.memory_space<vmem>>, vector<16xf32>,
      %mul3A_504 = arith.constant 4.000000e-01 : f32
      %mul3A_505 = vector.broadcast %mul3A_504 : f32 to vector<16xf32>
      %mul3A_506 = arith.mulf %mul3A_505, %get3A_503 : vector<16xf32>
      %get3A_507 = arith.constant 2 : i32
      %get3A_508 = arith.constant 13 : i32
      %get3A_509 = arith.index_cast %get3A_507 : i32 to index
      %get3A_510 = arith.index_cast %get3A_508 : i32 to index
      %get3A_511 = arith.index_cast %mul3A_44 : i32 to index
      %get3A_512 = tpu.vector_load %arg7[%get3A_509, %get3A_510, %get3A_511] {strides = array<i32>} : memref<3x24x512xf32, #tpu.memory_space<vmem>>, vector<16xf32>,
      %mul3A_513 = arith.constant 3.000000e-01 : f32
      %mul3A_514 = vector.broadcast %mul3A_513 : f32 to vector<16xf32>
      %mul3A_515 = arith.mulf %mul3A_514, %get3A_512 : vector<16xf32>
      %add3A_516 = arith.addf %mul3A_506, %mul3A_515 : vector<16xf32>
      %get3A_517 = arith.constant 2 : i32
      %get3A_518 = arith.constant 14 : i32
      %get3A_519 = arith.index_cast %get3A_517 : i32 to index
      %get3A_520 = arith.index_cast %get3A_518 : i32 to index
      %get3A_521 = arith.index_cast %mul3A_44 : i32 to index
      %get3A_522 = tpu.vector_load %arg7[%get3A_519, %get3A_520, %get3A_521] {strides = array<i32>} : memref<3x24x512xf32, #tpu.memory_space<vmem>>, vector<16xf32>,
      %mul3A_523 = arith.constant 3.000000e-01 : f32
      %mul3A_524 = vector.broadcast %mul3A_523 : f32 to vector<16xf32>
      %mul3A_525 = arith.mulf %mul3A_524, %get3A_522 : vector<16xf32>
      %add3A_526 = arith.addf %add3A_516, %mul3A_525 : vector<16xf32>
      %swap3A_527 = arith.constant 2 : i32
      %swap3A_528 = arith.constant 1 : i32
      %swap3A_529 = arith.index_cast %swap3A_527 : i32 to index
      %swap3A_530 = arith.index_cast %swap3A_528 : i32 to index
      %swap3A_531 = arith.index_cast %mul3A_44 : i32 to index
      %swap3A_532 = tpu.vector_load %arg6[%swap3A_529, %swap3A_530, %swap3A_531] {strides = array<i32>} : memref<3x25x512xf32, #tpu.memory_space<vmem>>, vector<16xf32>,
      tpu.vector_store %arg6[%swap3A_529, %swap3A_530, %swap3A_531], %add3A_526 {strides = array<i32>} : memref<3x25x512xf32, #tpu.memory_space<vmem>>, vector<16xf32>,
      %get3A_533 = arith.constant 2 : i32
      %get3A_534 = arith.constant 16 : i32
      %get3A_535 = arith.index_cast %get3A_533 : i32 to index
      %get3A_536 = arith.index_cast %get3A_534 : i32 to index
      %get3A_537 = arith.index_cast %mul3A_44 : i32 to index
      %get3A_538 = tpu.vector_load %arg7[%get3A_535, %get3A_536, %get3A_537] {strides = array<i32>} : memref<3x24x512xf32, #tpu.memory_space<vmem>>, vector<16xf32>,
      %mul3A_539 = arith.constant 3.000000e-01 : f32
      %mul3A_540 = vector.broadcast %mul3A_539 : f32 to vector<16xf32>
      %mul3A_541 = arith.mulf %mul3A_540, %get3A_538 : vector<16xf32>
      %get3A_542 = arith.constant 2 : i32
      %get3A_543 = arith.constant 12 : i32
      %get3A_544 = arith.index_cast %get3A_542 : i32 to index
      %get3A_545 = arith.index_cast %get3A_543 : i32 to index
      %get3A_546 = arith.index_cast %mul3A_44 : i32 to index
      %get3A_547 = tpu.vector_load %arg7[%get3A_544, %get3A_545, %get3A_546] {strides = array<i32>} : memref<3x24x512xf32, #tpu.memory_space<vmem>>, vector<16xf32>,
      %mul3A_548 = arith.constant 2.000000e-01 : f32
      %mul3A_549 = vector.broadcast %mul3A_548 : f32 to vector<16xf32>
      %mul3A_550 = arith.mulf %mul3A_549, %get3A_547 : vector<16xf32>
      %add3A_551 = arith.addf %mul3A_541, %mul3A_550 : vector<16xf32>
      %get3A_552 = arith.constant 2 : i32
      %get3A_553 = arith.constant 13 : i32
      %get3A_554 = arith.index_cast %get3A_552 : i32 to index
      %get3A_555 = arith.index_cast %get3A_553 : i32 to index
      %get3A_556 = arith.index_cast %mul3A_44 : i32 to index
      %get3A_557 = tpu.vector_load %arg7[%get3A_554, %get3A_555, %get3A_556] {strides = array<i32>} : memref<3x24x512xf32, #tpu.memory_space<vmem>>, vector<16xf32>,
      %mul3A_558 = arith.constant 5.000000e-01 : f32
      %mul3A_559 = vector.broadcast %mul3A_558 : f32 to vector<16xf32>
      %mul3A_560 = arith.mulf %mul3A_559, %get3A_557 : vector<16xf32>
      %add3A_561 = arith.addf %add3A_551, %mul3A_560 : vector<16xf32>
      %swap3A_562 = arith.constant 2 : i32
      %swap3A_563 = arith.constant 5 : i32
      %swap3A_564 = arith.index_cast %swap3A_562 : i32 to index
      %swap3A_565 = arith.index_cast %swap3A_563 : i32 to index
      %swap3A_566 = arith.index_cast %mul3A_44 : i32 to index
      %swap3A_567 = tpu.vector_load %arg6[%swap3A_564, %swap3A_565, %swap3A_566] {strides = array<i32>} : memref<3x25x512xf32, #tpu.memory_space<vmem>>, vector<16xf32>,
      tpu.vector_store %arg6[%swap3A_564, %swap3A_565, %swap3A_566], %add3A_561 {strides = array<i32>} : memref<3x25x512xf32, #tpu.memory_space<vmem>>, vector<16xf32>,
      %get3A_568 = arith.constant 2 : i32
      %get3A_569 = arith.constant 17 : i32
      %get3A_570 = arith.index_cast %get3A_568 : i32 to index
      %get3A_571 = arith.index_cast %get3A_569 : i32 to index
      %get3A_572 = arith.index_cast %mul3A_44 : i32 to index
      %get3A_573 = tpu.vector_load %arg7[%get3A_570, %get3A_571, %get3A_572] {strides = array<i32>} : memref<3x24x512xf32, #tpu.memory_space<vmem>>, vector<16xf32>,
      %mul3A_574 = arith.constant 3.000000e-01 : f32
      %mul3A_575 = vector.broadcast %mul3A_574 : f32 to vector<16xf32>
      %mul3A_576 = arith.mulf %mul3A_575, %get3A_573 : vector<16xf32>
      %get3A_577 = arith.constant 2 : i32
      %get3A_578 = arith.constant 12 : i32
      %get3A_579 = arith.index_cast %get3A_577 : i32 to index
      %get3A_580 = arith.index_cast %get3A_578 : i32 to index
      %get3A_581 = arith.index_cast %mul3A_44 : i32 to index
      %get3A_582 = tpu.vector_load %arg7[%get3A_579, %get3A_580, %get3A_581] {strides = array<i32>} : memref<3x24x512xf32, #tpu.memory_space<vmem>>, vector<16xf32>,
      %mul3A_583 = arith.constant 2.000000e-01 : f32
      %mul3A_584 = vector.broadcast %mul3A_583 : f32 to vector<16xf32>
      %mul3A_585 = arith.mulf %mul3A_584, %get3A_582 : vector<16xf32>
      %add3A_586 = arith.addf %mul3A_576, %mul3A_585 : vector<16xf32>
      %get3A_587 = arith.constant 2 : i32
      %get3A_588 = arith.constant 14 : i32
      %get3A_589 = arith.index_cast %get3A_587 : i32 to index
      %get3A_590 = arith.index_cast %get3A_588 : i32 to index
      %get3A_591 = arith.index_cast %mul3A_44 : i32 to index
      %get3A_592 = tpu.vector_load %arg7[%get3A_589, %get3A_590, %get3A_591] {strides = array<i32>} : memref<3x24x512xf32, #tpu.memory_space<vmem>>, vector<16xf32>,
      %mul3A_593 = arith.constant 5.000000e-01 : f32
      %mul3A_594 = vector.broadcast %mul3A_593 : f32 to vector<16xf32>
      %mul3A_595 = arith.mulf %mul3A_594, %get3A_592 : vector<16xf32>
      %add3A_596 = arith.addf %add3A_586, %mul3A_595 : vector<16xf32>
      %swap3A_597 = arith.constant 2 : i32
      %swap3A_598 = arith.constant 2 : i32
      %swap3A_599 = arith.index_cast %swap3A_597 : i32 to index
      %swap3A_600 = arith.index_cast %swap3A_598 : i32 to index
      %swap3A_601 = arith.index_cast %mul3A_44 : i32 to index
      %swap3A_602 = tpu.vector_load %arg6[%swap3A_599, %swap3A_600, %swap3A_601] {strides = array<i32>} : memref<3x25x512xf32, #tpu.memory_space<vmem>>, vector<16xf32>,
      tpu.vector_store %arg6[%swap3A_599, %swap3A_600, %swap3A_601], %add3A_596 {strides = array<i32>} : memref<3x25x512xf32, #tpu.memory_space<vmem>>, vector<16xf32>,
      %get3A_603 = arith.constant 2 : i32
      %get3A_604 = arith.constant 1 : i32
      %get3A_605 = arith.index_cast %get3A_603 : i32 to index
      %get3A_606 = arith.index_cast %get3A_604 : i32 to index
      %get3A_607 = arith.index_cast %mul3A_44 : i32 to index
      %get3A_608 = tpu.vector_load %arg7[%get3A_605, %get3A_606, %get3A_607] {strides = array<i32>} : memref<3x24x512xf32, #tpu.memory_space<vmem>>, vector<16xf32>,
      %mul3A_609 = arith.constant 6.000000e-01 : f32
      %mul3A_610 = vector.broadcast %mul3A_609 : f32 to vector<16xf32>
      %mul3A_611 = arith.mulf %mul3A_610, %get3A_608 : vector<16xf32>
      %get3A_612 = arith.constant 2 : i32
      %get3A_613 = arith.constant 0 : i32
      %get3A_614 = arith.index_cast %get3A_612 : i32 to index
      %get3A_615 = arith.index_cast %get3A_613 : i32 to index
      %get3A_616 = arith.index_cast %mul3A_44 : i32 to index
      %get3A_617 = tpu.vector_load %arg7[%get3A_614, %get3A_615, %get3A_616] {strides = array<i32>} : memref<3x24x512xf32, #tpu.memory_space<vmem>>, vector<16xf32>,
      %mul3A_618 = arith.constant 2.000000e-01 : f32
      %mul3A_619 = vector.broadcast %mul3A_618 : f32 to vector<16xf32>
      %mul3A_620 = arith.mulf %mul3A_619, %get3A_617 : vector<16xf32>
      %add3A_621 = arith.addf %mul3A_611, %mul3A_620 : vector<16xf32>
      %get3A_622 = arith.constant 2 : i32
      %get3A_623 = arith.constant 1 : i32
      %get3A_624 = arith.index_cast %get3A_622 : i32 to index
      %get3A_625 = arith.index_cast %get3A_623 : i32 to index
      %get3A_626 = arith.index_cast %mul3A_44 : i32 to index
      %get3A_627 = tpu.vector_load %arg8[%get3A_624, %get3A_625, %get3A_626] {strides = array<i32>} : memref<3x8x512xf32, #tpu.memory_space<vmem>>, vector<16xf32>,
      %mul3A_628 = arith.constant 2.000000e-01 : f32
      %mul3A_629 = vector.broadcast %mul3A_628 : f32 to vector<16xf32>
      %mul3A_630 = arith.mulf %mul3A_629, %get3A_627 : vector<16xf32>
      %add3A_631 = arith.addf %add3A_621, %mul3A_630 : vector<16xf32>
      %swap3A_632 = arith.constant 2 : i32
      %swap3A_633 = arith.constant 12 : i32
      %swap3A_634 = arith.index_cast %swap3A_632 : i32 to index
      %swap3A_635 = arith.index_cast %swap3A_633 : i32 to index
      %swap3A_636 = arith.index_cast %mul3A_44 : i32 to index
      %swap3A_637 = tpu.vector_load %arg6[%swap3A_634, %swap3A_635, %swap3A_636] {strides = array<i32>} : memref<3x25x512xf32, #tpu.memory_space<vmem>>, vector<16xf32>,
      tpu.vector_store %arg6[%swap3A_634, %swap3A_635, %swap3A_636], %add3A_631 {strides = array<i32>} : memref<3x25x512xf32, #tpu.memory_space<vmem>>, vector<16xf32>,
      %get3A_638 = arith.constant 2 : i32
      %get3A_639 = arith.constant 2 : i32
      %get3A_640 = arith.index_cast %get3A_638 : i32 to index
      %get3A_641 = arith.index_cast %get3A_639 : i32 to index
      %get3A_642 = arith.index_cast %mul3A_44 : i32 to index
      %get3A_643 = tpu.vector_load %arg7[%get3A_640, %get3A_641, %get3A_642] {strides = array<i32>} : memref<3x24x512xf32, #tpu.memory_space<vmem>>, vector<16xf32>,
      %mul3A_644 = arith.constant 6.000000e-01 : f32
      %mul3A_645 = vector.broadcast %mul3A_644 : f32 to vector<16xf32>
      %mul3A_646 = arith.mulf %mul3A_645, %get3A_643 : vector<16xf32>
      %get3A_647 = arith.constant 2 : i32
      %get3A_648 = arith.constant 0 : i32
      %get3A_649 = arith.index_cast %get3A_647 : i32 to index
      %get3A_650 = arith.index_cast %get3A_648 : i32 to index
      %get3A_651 = arith.index_cast %mul3A_44 : i32 to index
      %get3A_652 = tpu.vector_load %arg7[%get3A_649, %get3A_650, %get3A_651] {strides = array<i32>} : memref<3x24x512xf32, #tpu.memory_space<vmem>>, vector<16xf32>,
      %mul3A_653 = arith.constant 2.000000e-01 : f32
      %mul3A_654 = vector.broadcast %mul3A_653 : f32 to vector<16xf32>
      %mul3A_655 = arith.mulf %mul3A_654, %get3A_652 : vector<16xf32>
      %add3A_656 = arith.addf %mul3A_646, %mul3A_655 : vector<16xf32>
      %get3A_657 = arith.constant 2 : i32
      %get3A_658 = arith.constant 4 : i32
      %get3A_659 = arith.index_cast %get3A_657 : i32 to index
      %get3A_660 = arith.index_cast %get3A_658 : i32 to index
      %get3A_661 = arith.index_cast %mul3A_44 : i32 to index
      %get3A_662 = tpu.vector_load %arg8[%get3A_659, %get3A_660, %get3A_661] {strides = array<i32>} : memref<3x8x512xf32, #tpu.memory_space<vmem>>, vector<16xf32>,
      %mul3A_663 = arith.constant 2.000000e-01 : f32
      %mul3A_664 = vector.broadcast %mul3A_663 : f32 to vector<16xf32>
      %mul3A_665 = arith.mulf %mul3A_664, %get3A_662 : vector<16xf32>
      %add3A_666 = arith.addf %add3A_656, %mul3A_665 : vector<16xf32>
      %swap3A_667 = arith.constant 2 : i32
      %swap3A_668 = arith.constant 9 : i32
      %swap3A_669 = arith.index_cast %swap3A_667 : i32 to index
      %swap3A_670 = arith.index_cast %swap3A_668 : i32 to index
      %swap3A_671 = arith.index_cast %mul3A_44 : i32 to index
      %swap3A_672 = tpu.vector_load %arg6[%swap3A_669, %swap3A_670, %swap3A_671] {strides = array<i32>} : memref<3x25x512xf32, #tpu.memory_space<vmem>>, vector<16xf32>,
      tpu.vector_store %arg6[%swap3A_669, %swap3A_670, %swap3A_671], %add3A_666 {strides = array<i32>} : memref<3x25x512xf32, #tpu.memory_space<vmem>>, vector<16xf32>,
    }
    %scan3A_41 = arith.constant 32 : i32
    "tpu.region"() ({
      %run_scoped3A = tpu.sem_alloc : memref<!tpu.dma_semaphore, #tpu.memory_space<semaphore_mem>>
      %dma_start3A_42 = arith.constant 0 : i32
      %dma_start3A_43 = arith.constant 0 : i32
      %dma_start3A_44 = tpu.memref_slice %arg5[%dma_start3A_42, %dma_start3A_43, %mul3A_2] : memref<3x25x16384xf32, #tpu.memory_space<hbm>> -> memref<3x25x512xf32, #tpu.memory_space<hbm>>
      %dma_start3A_45 = arith.constant 0 : i32
      %dma_start3A_46 = arith.constant 0 : i32
      %dma_start3A_47 = tpu.memref_slice %arg5[%dma_start3A_45, %dma_start3A_46, %mul3A_2] : memref<3x25x16384xf32, #tpu.memory_space<hbm>> -> memref<3x25x512xf32, #tpu.memory_space<hbm>>
      tpu.enqueue_dma source(%arg6 : memref<3x25x512xf32, #tpu.memory_space<vmem>>) target(%dma_start3A_47 : memref<3x25x512xf32, #tpu.memory_space<hbm>>) target_semaphore(%run_scoped3A : memref<!tpu.dma_semaphore, #tpu.memory_space<semaphore_mem>>)
      %dma_wait3A_48 = arith.constant 0 : i32
      %dma_wait3A_49 = arith.constant 0 : i32
      %dma_wait3A_50 = tpu.memref_slice %arg5[%dma_wait3A_48, %dma_wait3A_49, %mul3A_2] : memref<3x25x16384xf32, #tpu.memory_space<hbm>> -> memref<3x25x512xf32, #tpu.memory_space<hbm>>
      %dma_wait3A_51 = arith.constant 0 : i32
      %dma_wait3A_52 = arith.constant 0 : i32
      %dma_wait3A_53 = tpu.memref_slice %arg5[%dma_wait3A_51, %dma_wait3A_52, %mul3A_2] : memref<3x25x16384xf32, #tpu.memory_space<hbm>> -> memref<3x25x512xf32, #tpu.memory_space<hbm>>
      tpu.wait_dma2 semaphore(%run_scoped3A : memref<!tpu.dma_semaphore, #tpu.memory_space<semaphore_mem>>) src(%arg6 : memref<3x25x512xf32, #tpu.memory_space<vmem>>) dst(%dma_wait3A_53 : memref<3x25x512xf32, #tpu.memory_space<hbm>>)
      tpu.yield
    }) : () -> ()
    return
  }
}

</mosaic_0001>

<sc_bundles>
// kernel: kernel.3.cloned.1.call-start
scs
__scs_entry_jumppad:
0x0: {  	(pc) =	sbr.rel $0x88, $3  }
0x1: {  	(tag) =	ssettag $0x0;
	lr =	simm.s32 $0x1  }
0x2: {  	[smem:$0x3F9E] =	sst lr;
	_ =	strace $0xD0000000  }
0x3: {  	_ = 	snop  }
0x4: {  	_ = 	snop  }
0x5: {  	_ = 	snop  }
0x6: {  	_ = 	snop  }
0x7: {  	_ = 	snop  }
__scs_overlays_trampoline_lowered:
0x8: {  	[smem:$0x3FAD] =	sst s0  }
0x9: {  	[smem:$0x3FAE] =	sst s1  }
0xa: {  	[smem:$0x3FAF] =	sst s2  }
0xb: {  	[smem:$0x3FB0] =	sst s3  }
0xc: {  	[smem:$0x3FB1] =	sst s4  }
0xd: {  	[smem:$0x3FB2] =	sst s5  }
0xe: {  	[smem:$0x3FB3] =	sst s6  }
0xf: {  	[smem:$0x3FB4] =	sst s7  }
0x10: {  	[smem:$0x3FB5] =	sst s8  }
0x11: {  	[smem:$0x3FB6] =	sst s9;
	s0 =	simm.s32 @!p0 $0x0  }
0x12: {  	s1 =	sld [smem:$0x3F9C];
	s0 =	simm.s32 @p0 $0x1  }
0x13: {  	[smem:$0x3FB7] =	sst s0;
	s0 =	simm.s32 @!p1 $0x0  }
0x14: {  	s2 =	sld [smem:$0x3F9B];
	s0 =	simm.s32 @p1 $0x1  }
0x15: {  	[smem:$0x3FB8] =	sst s0;
	s0 =	simm.s32 @!p2 $0x0  }
0x16: {  	s3 =	sld [smem:$0x3FDB];
	s0 =	simm.s32 @p2 $0x1  }
0x17: {  	s4 =	simm.s32 $0x1BF5;
	[smem:$0x3FBA] =	sst s0  }
0x18: {  	s0 =	sld [smem:$0x3F9D];
	_ =	swait.ge [sflag:s4], $0x0  }
0x19: {  	s7 =	sld [smem:$0x3F9E]  }
0x1a: {  	s8 =	sadd.s32 $0xFFFFE003, lr  }
0x1b: {  	s9 =	sadd.s32 $0xFFFFFEF7, lr;
	s5 =	simm.s32 $0xFFFFFFFF;
	p2 =	slt.u32 s8, $0xFFFFF086  }
0x1c: {  	p1 =	slt.u32 s9, $0xF7A;
	s5 =	simm.s32 @!p2 $0x0  }
0x1d: {  	s5 =	simm.s32 @p1 $0x1;
	p0 =	seq.s32 s7, s2  }
0x1e: {  	s7 =	smul.u32 @!p0 $0xF7A, s2;
	p2 =	seq.s32 @!p0 s5, $0x0  }
0x1f: {  	s9 =	smul.u32 $0xF7A, s1;
	s8 =	simm.s32 @!p0 $0x1BF5;
	p2 =	por !p2, p0  }
0x20: {  	[sflag:s8] =	ssyncset.s32 @!p0 $0xFFFFF086;
	s6 =	sadd.s32 @!p0 s3, s7;
	s7 =	simm.s32 @!p0 $0x108  }
0x21: {  	s3 =	sadd.s32 s3, s9;
	s6 =	sadd.s32 @!p0 $0x88, s6;
	s7 =	simm.s32 @p2 $0x1082  }
0x22: {  	[simem:s7], [sflag:s8] =	dma.local @!p0 [hbm:s6], $0xF7A  }
0x23: {  	s9 =	sor.u32 $0xD0000000, s2;
	s6 =	simm.s32 $0x108;
	_ =	swait.ge @!p0 [sflag:s8], $0x0  }
0x24: {  	s3 =	sadd.s32 $0x88, s3;
	s6 =	simm.s32 @!p1 $0x1082;
	[sflag:s4] =	ssyncset.s32 $0xFFFFF086  }
0x25: {  	[simem:s6], [sflag:s4] =	dma.local [hbm:s3], $0xF7A  }
0x26: {  	[smem:$0x3F9E] =	sst s1;
	(tag) =	ssettag s2;
	_ =	strace s9  }
0x27: {  	s1 =	sld [smem:$0x3FAE]  }
0x28: {  	s2 =	sld [smem:$0x3FAF]  }
0x29: {  	s4 =	sld [smem:$0x3FB1]  }
0x2a: {  	p0 =	seq.s32 s5, $0x0;
	s5 =	sld [smem:$0x3FB2]  }
0x2b: {  	s6 =	sld [smem:$0x3FB3]  }
0x2c: {  	s7 =	sld [smem:$0x3FB4]  }
0x2d: {  	s3 =	simm.s32 $0x108;
	s8 =	sld [smem:$0x3FB5]  }
0x2e: {  	s3 =	simm.s32 @!p0 $0x1082;
	s9 =	sld [smem:$0x3FB6]  }
0x2f: {  	lr =	sadd.s32 s0, s3;
	s0 =	sld [smem:$0x3FAD]  }
0x30: {  	s3 =	sld [smem:$0x3FB0]  }
0x31: {  	[smem:$0x3FB9] =	sst s10  }
0x32: {  	s10 =	sld [smem:$0x3FB7];
	_ =	sdelay $0x3  }
0x33: {  	p0 =	seq.s32 s10, $0x1;
	s10 =	sld [smem:$0x3FB9];
	_ =	sdelay $0x3  }
0x34: {  	[smem:$0x3FB9] =	sst s10  }
0x35: {  	s10 =	sld [smem:$0x3FB8];
	_ =	sdelay $0x3  }
0x36: {  	p1 =	seq.s32 s10, $0x1;
	s10 =	sld [smem:$0x3FB9];
	_ =	sdelay $0x3  }
0x37: {  	[smem:$0x3FB9] =	sst s10  }
0x38: {  	s10 =	sld [smem:$0x3FBA]  }
0x39: {  	_ = 	snop;
	(pc) =	sbr.ind lr, $3  }
0x3a: {  	_ = 	snop  }
0x3b: {  	_ = 	snop  }
0x3c: {  	p2 =	seq.s32 s10, $0x1;
	s10 =	sld [smem:$0x3FB9]  }
0x3d: {  	_ =	shalt  }
0x3e: {  	_ =	shalt  }
0x3f: {  	_ =	shalt  }
0x40: {  	_ =	shalt  }
0x41: {  	_ =	shalt  }
0x42: {  	_ =	shalt  }
0x43: {  	_ =	shalt  }
0x44: {  	_ =	shalt  }
0x45: {  	_ =	shalt  }
0x46: {  	_ =	shalt  }
0x47: {  	_ =	shalt  }
0x48: {  	_ =	shalt  }
0x49: {  	_ =	shalt  }
0x4a: {  	_ =	shalt  }
0x4b: {  	_ =	shalt  }
0x4c: {  	_ =	shalt  }
0x4d: {  	_ =	shalt  }
0x4e: {  	_ =	shalt  }
0x4f: {  	_ =	shalt  }
0x50: {  	_ =	shalt  }
0x51: {  	_ =	shalt  }
0x52: {  	_ =	shalt  }
0x53: {  	_ =	shalt  }
0x54: {  	_ =	shalt  }
0x55: {  	_ =	shalt  }
0x56: {  	_ =	shalt  }
0x57: {  	_ =	shalt  }
0x58: {  	_ =	shalt  }
0x59: {  	_ =	shalt  }
0x5a: {  	_ =	shalt  }
0x5b: {  	_ =	shalt  }
0x5c: {  	_ =	shalt  }
0x5d: {  	_ =	shalt  }
0x5e: {  	_ =	shalt  }
0x5f: {  	_ =	shalt  }
0x60: {  	_ =	shalt  }
0x61: {  	_ =	shalt  }
0x62: {  	_ =	shalt  }
0x63: {  	_ =	shalt  }
0x64: {  	_ =	shalt  }
0x65: {  	_ =	shalt  }
0x66: {  	_ =	shalt  }
0x67: {  	_ =	shalt  }
0x68: {  	_ =	shalt  }
0x69: {  	_ =	shalt  }
0x6a: {  	_ =	shalt  }
0x6b: {  	_ =	shalt  }
0x6c: {  	_ =	shalt  }
0x6d: {  	_ =	shalt  }
0x6e: {  	_ =	shalt  }
0x6f: {  	_ =	shalt  }
0x70: {  	_ =	shalt  }
0x71: {  	_ =	shalt  }
0x72: {  	_ =	shalt  }
0x73: {  	_ =	shalt  }
0x74: {  	_ =	shalt  }
0x75: {  	_ =	shalt  }
0x76: {  	_ =	shalt  }
0x77: {  	_ =	shalt  }
0x78: {  	_ =	shalt  }
0x79: {  	_ =	shalt  }
0x7a: {  	_ =	shalt  }
0x7b: {  	_ =	shalt  }
0x7c: {  	_ =	shalt  }
0x7d: {  	_ =	shalt  }
0x7e: {  	_ =	shalt  }
0x7f: {  	_ =	shalt  }
0x80: {  	_ =	shalt  }
0x81: {  	_ =	shalt  }
0x82: {  	_ =	shalt  }
0x83: {  	_ =	shalt  }
0x84: {  	_ =	shalt  }
0x85: {  	_ =	shalt  }
0x86: {  	_ =	shalt  }
0x87: {  	_ =	shalt  }
.Lfunc_end0:
.L_simem_size_0:
called_computation_lowered:
.L_overlay_start_0:
0x88: {  	s2 =	sld [smem:$0x3FD9]  }
0x89: {  	s3 =	sld [smem:$0x3FFE];
	_ =	sdelay $0x1  }
0x8a: {  	s1 =	srdreg.scid  }
0x8b: {  	s0 =	sand.u32 $0x1, s1  }
0x8c: {  	s18 =	sshll.u32 s0, $0xA;
	s2 =	sadd.s32 s3, s2  }
0x8d: {  	s2 =	sadd.s32 s2, s18  }
0x8e: {  	[smem:$0x3FC5] =	sst s2  }
0x8f: {  	_ = 	snop  }
0x90: {  	s2 =	sld [smem:$0x3FC9]  }
0x91: {  	s19 =	sld [smem:$0x3FC8]  }
0x92: {  	s4 =	sld [smem:$0x3FC7]  }
0x93: {  	s5 =	sld [smem:$0x3FD0];
	(tm) =	ssettm $0x1  }
0x94: {  	s6 =	sld [smem:$0x3FFB];
	_ =	sdelay $0x3  }
0x95: {  	_ =	strace s6  }
0x96: {  	s6 =	sld [smem:$0x3FFC];
	_ =	sdelay $0x3  }
0x97: {  	_ =	strace s6  }
0x98: {  	s6 =	sld [smem:$0x3FFD];
	_ =	sdelay $0x3  }
0x99: {  	_ =	strace s6  }
0x9a: {  	_ =	strace $0x8FFFFFFF  }
0x9b: {  	s20 =	sld [smem:$0x3FDB];
	_ =	sdelay $0x1  }
0x9c: {  	s7 =	simm.s32 $_scs_section_size  }
0x9d: {  	s8 =	simm.s32 $_size__tile_overlayer_lowered;
	s9 =	simm.s32 $_tile_overlayer_lowered  }
0x9e: {  	s23 =	simm.s32 $0x1BFF;
	s22 =	sshll.u32 s9, $0x1;
	s6 =	sadd.s32 s7, s20  }
0x9f: {  	s10 =	simm.s32 $0x0;
	s21 =	sshll.u32 s8, $0x1;
	s8 =	sadd.s32 s22, s6  }
0xa0: {  	[timem:s10], [sflag:s23] =	dma.local [hbm:s8], s21  }
0xa1: {  	_ =	swait.ge [sflag:s23], s21  }
0xa2: {  	s7 =	ssub.s32 $0x0, s21;
	[sflag:s23] =	ssyncset.done $0x0  }
0xa3: {  	[sflag:s23] =	ssyncadd.s32 s7;
	_ =	sdelay $0x1  }
0xa4: {  	s24 =	simm.s32 $0x1B8B  }
0xa5: {  	_ =	swait.ge [sflag:s24], $0x1  }
0xa6: {  	[sflag:s24] =	ssyncset.done $0x0  }
0xa7: {  	s25 =	simm.s32 $0x1B8E;
	[sflag:s24] =	ssyncadd.s32 $0xFFFFFFFF  }
0xa8: {  	s26 =	simm.s32 $execute0_lowered;
	[smem:$0x3FD2] =	sst s25  }
0xa9: {  	s7 =	sshll.u32 s26, $0x1;
	_ =	strace $0x80000046;
	[dreg:$0x1] =	wrdreg $0xFFFFFFFF  }
0xaa: {  	s28 =	simm.s32 $_size_execute0_lowered;
	s6 =	sadd.s32 s6, s7;
	[dreg:$0x0] =	wrdreg $0x0  }
0xab: {  	s7 =	sshll.u32 s28, $0x1;
	[dreg:$0x2] =	wrdreg s6  }
0xac: {  	[dreg:$0x3] =	wrdreg s7  }
0xad: {  	[dreg:$0x4] =	wrdreg $0xC0  }
0xae: {  	_ =	task [dreg:s10], $0x5FFFF  }
0xaf: {  	[dreg:$0x1] =	wrdreg $0xFFFFFFFF  }
0xb0: {  	[dreg:$0x0] =	wrdreg $0x60  }
0xb1: {  	[dreg:$0x2] =	wrdreg s2  }
0xb2: {  	[dreg:$0x3] =	wrdreg s19  }
0xb3: {  	[dreg:$0x4] =	wrdreg s4  }
0xb4: {  	[dreg:$0x5] =	wrdreg s5  }
0xb5: {  	[dreg:$0x6] =	wrdreg $0x9  }
0xb6: {  	_ =	task.clear_ibuf [dreg:s10], $0x7FFFF;
	_ =	strace $0x90000046  }
0xb7: {  	s29 =	simm.s32 $0x9;
	_ =	strace $0x80000048  }
0xb8: {  	_ =	swait.ge [sflag:s29], $0x1  }
0xb9: {  	[sflag:s29] =	ssyncadd.s32 $0xFFFFFFFF  }
0xba: {  	_ =	strace $0x90000048  }
0xbb: {  	_ =	sfence  }
0xbc: {  	s30 =	sld [smem:$0x0];
	_ =	sdelay $0x2  }
0xbd: {  	s31 =	sshll.u32 s1, $0xD;
	s1 =	sshrl.u32 s1, $0x2  }
0xbe: {  	s3 =	sand.u32 $0x4000, s31;
	s1 =	sadd.s32 s1, s30  }
0xbf: {  	s0 =	sor.u32 s3, s0;
	s1 =	sshll.u32 s1, $0x11  }
0xc0: {  	s0 =	sor.u32 s1, s0  }
0xc1: {  	s0 =	sadd.s32 $0x8F2B, s0  }
0xc2: {  	[sflag:s0] =	ssyncadd.remote.s32 $0x1  }
0xc3: {  	_ =	sfence.sel $0xFFFF  }
0xc4: {  	[dreg:$0x0] =	wrdreg $0xFFFFFFFF;
	(pc) =	sbr.abs _section_cstart, $3  }
0xc5: {  	[dreg:$0x1] =	wrdreg $0xFFFFFFFF  }
0xc6: {  	_ =	task.clear_ibuf [dreg:s10], $0x2FFFF;
	_ =	strace $0x9FFFFFFF  }
0xc7: {  	(tm) =	ssettm $0x7FFFFFFF  }
tec
execute0_lowered:
.L_overlay_start_1:
0x0: {  	(tag) =	ssettag $0x1  }
0x1: {  	s3 =	rddreg [dreg:$0x0]  }
0x2: {  	s4 =	rddreg [dreg:$0x1]  }
0x3: {  	s5 =	rddreg [dreg:$0x2]  }
0x4: {  	s6 =	rddreg [dreg:$0x3]  }
0x5: {  	s0 =	rddreg [dreg:$0x4];
	s2 =	simm.s32 $0x0;
	s7 =	srdreg.scid  }
0x6: {  	s1 =	stileid.u32;
	s11 =	simm.s32 $0x40000;
	s12 =	simm.s32 $0x15000  }
0x7: {  	s13 =	simm.s32 $0x1;
	s14 =	simm.s32 $0x2;
	s15 =	simm.s32 $0x3  }
0x8: {  	s16 =	simm.s32 $0x0;
	[smem:$0x7FF] =	sst s2;
	s7 =	sand.u32 $0x1, s7  }
0x9: {  	s9 =	sshll.u32 s1, $0xA;
	s8 =	ssub.s32 $0x2, s7;
	s7 =	sshll.u32 s7, $0x9  }
0xa: {  	_ =	strace $0x80000047;
	s10 =	sshrl.u32 s8, $0x1;
	s7 =	sor.u32 s7, s9  }
0xb: {  	s9 =	simm.s32 $0x20000;
	s8 =	ssub.s32 s8, s10;
	s3 =	sadd.s32 s3, s7  }
0xc: {  	s4 =	sadd.s32 s4, s7;
	s5 =	sadd.s32 s5, s7;
	s6 =	sadd.s32 s6, s7  }
0xd: {  	s10 =	simm.s32 $0xC000;
	s7 =	smax.u32 s8, $0x1;
	s8 =	simm.s32 $0x1000  }
.LBB2_1:
0xe: {  	[tilespmem:s10], [sflag:$0x1] =	stream.strided.gather [hbm4b:s3+s8], $0x9000, s9, s8, $0x38;
	[tilespmem:$0x18000] =	vst v63  }
0xf: {  	_ = 	snop  }
0x10: {  	[tilespmem:s12], [sflag:$0x1] =	stream.strided.gather [hbm4b:s4+s8], $0x3000, s11, s8, $0x38;
	[tilespmem:$0x18000] =	vst v63  }
0x11: {  	_ = 	snop  }
0x12: {  	[tilespmem:s2], [sflag:$0x2] =	stream.strided.gather [hbm4b:s5+s8], $0xC000, s9, s8, $0x38;
	[tilespmem:$0x18000] =	vst v63  }
0x13: {  	_ =	swait.ge [sflag:s13], $0x9000  }
0x14: {  	[sflag:s13] =	ssyncset.done $0x0  }
0x15: {  	[sflag:s13] =	ssyncadd.s32 $0xFFFF7000  }
0x16: {  	_ =	swait.ge [sflag:s13], $0x3000  }
0x17: {  	[sflag:s13] =	ssyncset.done $0x0  }
0x18: {  	[sflag:s13] =	ssyncadd.s32 $0xFFFFD000  }
0x19: {  	_ =	swait.ge [sflag:s14], $0xC000  }
0x1a: {  	s17 =	sand.u32 $0x70, s2;
	s18 =	sand.u32 $0xC00, s2;
	[sflag:s14] =	ssyncset.done $0x0  }
0x1b: {  	s17 =	sor.u32 s17, s18;
	[sflag:s14] =	ssyncadd.s32 $0xFFFF4000  }
0x1c: {  	v0 =	vld [tilespmem:s17+$0x12000]  }
0x1d: {  	v1 =	vld [tilespmem:s17+$0x12100]  }
0x1e: {  	v2 =	vld [tilespmem:s17+$0xC000]  }
0x1f: {  	v3 =	vld [tilespmem:s17+$0x17200]  }
0x20: {  	v4 =	vld [tilespmem:s17+$0xC080]  }
0x21: {  	v5 =	vld [tilespmem:s17+$0xC100]  }
0x22: {  	v6 =	vld [tilespmem:s17+$0xD200]  }
0x23: {  	v7 =	vld [tilespmem:s17+$0xE000]  }
0x24: {  	v8 =	vld [tilespmem:s17+$0xE080]  }
0x25: {  	v12 =	vld [tilespmem:s17+$0xF000]  }
0x26: {  	v14 =	vld [tilespmem:s17+$0x11000]  }
0x27: {  	v15 =	vld [tilespmem:s17+$0x11080]  }
0x28: {  	v16 =	vld [tilespmem:s17+$0x10200]  }
0x29: {  	v17 =	vld [tilespmem:s17+$0xF000]  }
0x2a: {  	v18 =	vld [tilespmem:s17+$0x12000];
	v10 =	vmul.f32 $2.000000030e-01, v0  }
0x2b: {  	v19 =	vld [tilespmem:s17+$0x12080];
	v0 =	vmul.f32 $6.000000240e-01, v1;
	v3 =	vmul.f32 $2.000000030e-01, v3  }
0x2c: {  	v20 =	vld [tilespmem:s17+$0x13200];
	v9 =	vmul.f32 $5.000000000e-01, v2;
	v11 =	vmul.f32 $2.500000000e-01, v4  }
0x2d: {  	v28 =	vld [tilespmem:s17+$0x10280];
	v13 =	vmul.f32 $2.500000000e-01, v5;
	v2 =	vmul.f32 $2.000000030e-01, v2;
	v0 =	vadd.f32 v10, v0  }
0x2e: {  	v1 =	vld [tilespmem:s17+$0xD280];
	v4 =	vmul.f32 $6.000000240e-01, v4;
	v5 =	vmul.f32 $6.000000240e-01, v5  }
0x2f: {  	v9 =	vadd.f32 v11, v9;
	v11 =	vld [tilespmem:s17+$0x10200];
	v0 =	vadd.f32 v3, v0  }
0x30: {  	v4 =	vadd.f32 v2, v4;
	v5 =	vadd.f32 v2, v5;
	v2 =	vmul.f32 $3.000000120e-01, v8;
	v8 =	vld [tilespmem:s17+$0x15080]  }
0x31: {  	v7 =	vmul.f32 $3.000000120e-01, v7;
	v3 =	vld [tilespmem:s17+$0xF080];
	[tilespmem:s17+$0x9080] =	vst v0;
	v0 =	vadd.f32 v13, v9;
	v13 =	vmul.f32 $2.000000030e-01, v6  }
0x32: {  	v9 =	vld [tilespmem:s17+$0x10280]  }
0x33: {  	v21 =	vld [tilespmem:s17+$0x13280];
	v17 =	vmul.f32 $2.000000030e-01, v17;
	[tilespmem:s17+$0x1000] =	vst v0;
	v0 =	vmul.f32 $5.000000000e-01, v1;
	v7 =	vadd.f32 v13, v7  }
0x34: {  	v26 =	vld [tilespmem:s17+$0xD300];
	v6 =	vmul.f32 $4.000000060e-01, v6;
	v1 =	vmul.f32 $3.000000120e-01, v1  }
0x35: {  	v22 =	vld [tilespmem:s17+$0x14000];
	v63 =	vmul.f32 $5.000000000e-01, v28;
	v8 =	vmul.f32 $2.000000030e-01, v8;
	v0 =	vadd.f32 v0, v7  }
0x36: {  	v3 =	vmul.f32 $2.500000000e-01, v3;
	v7 =	vld [tilespmem:s17+$0xF080];
	v1 =	vadd.f32 v1, v6;
	v6 =	vmul.f32 $5.000000000e-01, v12  }
0x37: {  	v2 =	vadd.f32 v13, v2;
	v13 =	vmul.f32 $4.000000060e-01, v11;
	v9 =	vmul.f32 $3.000000120e-01, v9;
	[tilespmem:s17+$0x280] =	vst v0;
	v0 =	vld [tilespmem:s17+$0xF100]  }
0x38: {  	v23 =	vld [tilespmem:s17+$0x13200];
	v11 =	vmul.f32 $2.000000030e-01, v11;
	v6 =	vadd.f32 v3, v6;
	v3 =	vmul.f32 $3.000000120e-01, v14  }
0x39: {  	v24 =	vld [tilespmem:s17+$0x14080];
	v13 =	vadd.f32 v9, v13;
	v9 =	vmul.f32 $3.000000120e-01, v15;
	v15 =	vmul.f32 $3.000000120e-01, v26  }
0x3a: {  	v4 =	vadd.f32 v8, v4;
	v12 =	vld [tilespmem:s17+$0x15200];
	v11 =	vadd.f32 v11, v3;
	v3 =	vmul.f32 $2.000000030e-01, v16  }
0x3b: {  	v27 =	vld [tilespmem:s17+$0xF100];
	v16 =	vmul.f32 $5.000000000e-01, v26;
	v7 =	vmul.f32 $6.000000240e-01, v7;
	v1 =	vadd.f32 v15, v1  }
0x3c: {  	v25 =	vld [tilespmem:s17+$0x12080];
	v29 =	vadd.f32 v3, v9;
	v3 =	vmul.f32 $5.000000000e-01, v18;
	v0 =	vmul.f32 $6.000000240e-01, v0  }
0x3d: {  	v14 =	vld [tilespmem:s17+$0x10300];
	v2 =	vadd.f32 v16, v2;
	v9 =	vmul.f32 $2.500000000e-01, v19;
	v18 =	vmul.f32 $3.000000120e-01, v21  }
0x3e: {  	v62 =	vld [tilespmem:s17+$0x10300];
	[tilespmem:s17+$0x80] =	vst v1;
	v1 =	vadd.f32 v17, v7;
	v0 =	vadd.f32 v17, v0;
	v17 =	vmul.f32 $4.000000060e-01, v20  }
0x3f: {  	v15 =	vld [tilespmem:s17+$0x16080];
	v12 =	vmul.f32 $2.000000030e-01, v12;
	v19 =	vmul.f32 $2.000000030e-01, v23;
	[tilespmem:s17+$0x100] =	vst v2;
	v2 =	vadd.f32 v9, v3  }
0x40: {  	v16 =	vld [tilespmem:s17+$0x16200];
	v9 =	vmul.f32 $3.000000120e-01, v22;
	v3 =	vadd.f32 v18, v17;
	v17 =	vmul.f32 $2.500000000e-01, v27  }
0x41: {  	[tilespmem:s17+$0x1200] =	vst v4;
	v4 =	vmul.f32 $3.000000120e-01, v24;
	v7 =	vld [tilespmem:s17+$0x12100];
	v12 =	vadd.f32 v12, v5;
	v18 =	vmul.f32 $6.000000240e-01, v25  }
0x42: {  	v8 =	vld [tilespmem:s17+$0x13300];
	v14 =	vmul.f32 $3.000000120e-01, v14;
	v5 =	vadd.f32 v19, v9;
	v17 =	vadd.f32 v17, v6  }
0x43: {  	s31 =	simm.s32 $0x10;
	s19 =	simm.s32 $0x80;
	v9 =	vld [tilespmem:s17+$0x13280];
	v6 =	vadd.f32 v19, v4;
	v4 =	vadd.f32 v10, v18;
	v18 =	vmul.f32 $5.000000000e-01, v62  }
0x44: {  	s18 =	sand.u32 $0x70, s31;
	s20 =	sand.u32 $0xC00, s19;
	[tilespmem:s17+$0x1080] =	vst v12;
	v12 =	vadd.f32 v14, v13;
	v15 =	vmul.f32 $2.000000030e-01, v15;
	v10 =	vld [tilespmem:s17+$0x13300]  }
0x45: {  	s18 =	sor.u32 s18, s20;
	s20 =	simm.s32 $0x20;
	v13 =	vadd.f32 v63, v11;
	v11 =	vld [tilespmem:s17+$0x17080];
	v16 =	vmul.f32 $2.000000030e-01, v16;
	[tilespmem:s17+$0x5000] =	vst v17;
	v14 =	vadd.f32 v18, v29  }
.LBB2_2:
0x46: {  	p0 =	sne.s32 s20, $0x1F0;
	v17 =	vld [tilespmem:s18+$0x12000];
	[tilespmem:s17+$0x4080] =	vst v12;
	v1 =	vadd.f32 v15, v1;
	v7 =	vmul.f32 $2.500000000e-01, v7  }
0x47: {  	v12 =	vld [tilespmem:s18+$0x12100];
	[tilespmem:s17+$0x4280] =	vst v13;
	v0 =	vadd.f32 v16, v0;
	v8 =	vmul.f32 $3.000000120e-01, v8  }
0x48: {  	v13 =	vld [tilespmem:s18+$0xC000];
	[tilespmem:s17+$0x4100] =	vst v14;
	v2 =	vadd.f32 v7, v2;
	v7 =	vmul.f32 $5.000000000e-01, v9  }
0x49: {  	v9 =	vld [tilespmem:s18+$0x17200];
	[tilespmem:s17+$0x5200] =	vst v1;
	v1 =	vadd.f32 v8, v3;
	v3 =	vmul.f32 $5.000000000e-01, v10  }
0x4a: {  	v8 =	vld [tilespmem:s18+$0xC080];
	[tilespmem:s17+$0x5080] =	vst v0;
	v0 =	vadd.f32 v7, v5;
	v5 =	vmul.f32 $2.000000030e-01, v11  }
0x4b: {  	v7 =	vld [tilespmem:s18+$0xC100];
	[tilespmem:s17+$0x9000] =	vst v2;
	v2 =	vadd.f32 v3, v6  }
0x4c: {  	v10 =	vmul.f32 $2.000000030e-01, v17;
	v3 =	vld [tilespmem:s18+$0xD200];
	v6 =	vmul.f32 $6.000000240e-01, v12;
	[tilespmem:s17+$0x8080] =	vst v1;
	v1 =	vadd.f32 v5, v4  }
0x4d: {  	v4 =	vmul.f32 $5.000000000e-01, v13;
	v5 =	vld [tilespmem:s18+$0xD280];
	v11 =	vmul.f32 $2.000000030e-01, v13;
	[tilespmem:s17+$0x8280] =	vst v0  }
0x4e: {  	v0 =	vld [tilespmem:s18+$0xE000];
	v6 =	vadd.f32 v10, v6;
	v9 =	vmul.f32 $2.000000030e-01, v9;
	[tilespmem:s17+$0x8100] =	vst v2  }
0x4f: {  	v2 =	vmul.f32 $2.500000000e-01, v8;
	v12 =	vld [tilespmem:s18+$0xE080];
	v8 =	vmul.f32 $6.000000240e-01, v8;
	[tilespmem:s17+$0x9200] =	vst v1;
	s17 =	smov.u32 s18  }
0x50: {  	v1 =	vmul.f32 $2.500000000e-01, v7;
	v7 =	vmul.f32 $6.000000240e-01, v7;
	v13 =	vld [tilespmem:s17+$0xF000];
	v6 =	vadd.f32 v9, v6  }
0x51: {  	v2 =	vadd.f32 v2, v4;
	v4 =	vmul.f32 $4.000000060e-01, v3;
	v3 =	vmul.f32 $2.000000030e-01, v3;
	v9 =	vld [tilespmem:s17+$0xF080]  }
0x52: {  	v8 =	vadd.f32 v11, v8;
	v14 =	vmul.f32 $3.000000120e-01, v5;
	v7 =	vadd.f32 v11, v7;
	v11 =	vld [tilespmem:s17+$0x10200];
	[tilespmem:s17+$0x9080] =	vst v6  }
0x53: {  	v1 =	vadd.f32 v1, v2;
	v0 =	vmul.f32 $3.000000120e-01, v0;
	v2 =	vmul.f32 $5.000000000e-01, v5;
	v5 =	vld [tilespmem:s17+$0x10280]  }
0x54: {  	v14 =	vadd.f32 v14, v4;
	v4 =	vmul.f32 $3.000000120e-01, v12;
	v6 =	vld [tilespmem:s17+$0x11000]  }
0x55: {  	[tilespmem:s17+$0x1000] =	vst v1;
	v0 =	vadd.f32 v3, v0;
	v1 =	vmul.f32 $5.000000000e-01, v13;
	v12 =	vld [tilespmem:s17+$0x11080]  }
0x56: {  	v13 =	vadd.f32 v3, v4;
	v3 =	vmul.f32 $2.500000000e-01, v9;
	v4 =	vld [tilespmem:s17+$0x10200]  }
0x57: {  	v0 =	vadd.f32 v2, v0;
	v2 =	vmul.f32 $4.000000060e-01, v11;
	v9 =	vmul.f32 $2.000000030e-01, v11;
	v11 =	vld [tilespmem:s17+$0xF080]  }
0x58: {  	v15 =	vadd.f32 v3, v1;
	v1 =	vmul.f32 $3.000000120e-01, v5;
	v3 =	vld [tilespmem:s17+$0xF000]  }
0x59: {  	[tilespmem:s17+$0x280] =	vst v0;
	v0 =	vmul.f32 $3.000000120e-01, v6;
	v5 =	vld [tilespmem:s17+$0xF100]  }
0x5a: {  	v16 =	vadd.f32 v1, v2;
	v1 =	vmul.f32 $3.000000120e-01, v12;
	v2 =	vld [tilespmem:s17+$0x12000]  }
0x5b: {  	v17 =	vadd.f32 v9, v0;
	v0 =	vmul.f32 $2.000000030e-01, v4;
	v4 =	vld [tilespmem:s17+$0x12080]  }
0x5c: {  	v6 =	vmul.f32 $6.000000240e-01, v11;
	v9 =	vld [tilespmem:s17+$0x13200]  }
0x5d: {  	v11 =	vadd.f32 v0, v1;
	v0 =	vmul.f32 $2.000000030e-01, v3;
	v3 =	vld [tilespmem:s17+$0x13280]  }
0x5e: {  	v5 =	vmul.f32 $6.000000240e-01, v5;
	v12 =	vld [tilespmem:s17+$0x14000]  }
0x5f: {  	v1 =	vadd.f32 v0, v6;
	v2 =	vmul.f32 $5.000000000e-01, v2;
	v6 =	vld [tilespmem:s17+$0x13200]  }
0x60: {  	v0 =	vadd.f32 v0, v5;
	v4 =	vmul.f32 $2.500000000e-01, v4;
	v5 =	vld [tilespmem:s17+$0x14080]  }
0x61: {  	v9 =	vmul.f32 $4.000000060e-01, v9;
	v18 =	vld [tilespmem:s17+$0x12080]  }
0x62: {  	v19 =	vld [tilespmem:s17+$0xD300];
	v2 =	vadd.f32 v4, v2;
	v3 =	vmul.f32 $3.000000120e-01, v3  }
0x63: {  	v4 =	vld [tilespmem:s17+$0x15080];
	v12 =	vmul.f32 $3.000000120e-01, v12  }
0x64: {  	v20 =	vld [tilespmem:s17+$0x15200];
	v3 =	vadd.f32 v3, v9;
	v6 =	vmul.f32 $2.000000030e-01, v6  }
0x65: {  	v9 =	vld [tilespmem:s17+$0xF100];
	v21 =	vmul.f32 $3.000000120e-01, v5  }
0x66: {  	v22 =	vld [tilespmem:s17+$0x10300];
	v5 =	vadd.f32 v6, v12;
	v12 =	vmul.f32 $6.000000240e-01, v18  }
0x67: {  	v18 =	vmul.f32 $3.000000120e-01, v19;
	v19 =	vmul.f32 $5.000000000e-01, v19;
	v23 =	vld [tilespmem:s17+$0x10280];
	v6 =	vadd.f32 v6, v21  }
0x68: {  	v21 =	vmul.f32 $2.000000030e-01, v4;
	v24 =	vld [tilespmem:s17+$0x10300];
	v4 =	vadd.f32 v10, v12  }
0x69: {  	v10 =	vadd.f32 v18, v14;
	v12 =	vadd.f32 v19, v13;
	v13 =	vmul.f32 $2.000000030e-01, v20;
	v14 =	vld [tilespmem:s17+$0x16080]  }
0x6a: {  	v18 =	vadd.f32 v21, v8;
	v8 =	vmul.f32 $2.500000000e-01, v9;
	v19 =	vld [tilespmem:s17+$0x16200]  }
.Ltmp0:
0x6b: {  	[tilespmem:s17+$0x80] =	vst v10;
	v10 =	vadd.f32 v13, v7;
	v9 =	vmul.f32 $3.000000120e-01, v22;
	v7 =	vld [tilespmem:s17+$0x12100];
	(pc) =	sbr.rel @p0 .LBB2_2-.Ltmp0, $4  }
0x6c: {  	[tilespmem:s17+$0x100] =	vst v12;
	v20 =	vadd.f32 v8, v15;
	v13 =	vmul.f32 $5.000000000e-01, v23;
	v8 =	vld [tilespmem:s17+$0x13300]  }
0x6d: {  	s19 =	sadd.s32 $0x80, s19;
	[tilespmem:s17+$0x1200] =	vst v18;
	v12 =	vadd.f32 v9, v16;
	v16 =	vmul.f32 $5.000000000e-01, v24;
	v9 =	vld [tilespmem:s17+$0x13280]  }
0x6e: {  	s21 =	sand.u32 $0xC00, s19;
	s18 =	sand.u32 $0x70, s20;
	[tilespmem:s17+$0x1080] =	vst v10;
	v13 =	vadd.f32 v13, v17;
	v15 =	vmul.f32 $2.000000030e-01, v14;
	v10 =	vld [tilespmem:s17+$0x13300]  }
0x6f: {  	s20 =	sadd.s32 $0x10, s20;
	s18 =	sor.u32 s18, s21;
	[tilespmem:s17+$0x5000] =	vst v20;
	v14 =	vadd.f32 v16, v11;
	v16 =	vmul.f32 $2.000000030e-01, v19;
	v11 =	vld [tilespmem:s17+$0x17080]  }
0x70: {  	v17 =	vld [tilespmem:s18+$0x12000];
	[tilespmem:s17+$0x4080] =	vst v12  }
0x71: {  	v1 =	vadd.f32 v15, v1;
	v7 =	vmul.f32 $2.500000000e-01, v7;
	v12 =	vld [tilespmem:s18+$0x12100];
	[tilespmem:s17+$0x4280] =	vst v13  }
0x72: {  	v0 =	vadd.f32 v16, v0;
	v8 =	vmul.f32 $3.000000120e-01, v8;
	v13 =	vld [tilespmem:s18+$0xC000];
	[tilespmem:s17+$0x4100] =	vst v14  }
0x73: {  	v2 =	vadd.f32 v7, v2;
	v34 =	vmul.f32 $5.000000000e-01, v9;
	v14 =	vld [tilespmem:s18+$0x17200];
	[tilespmem:s17+$0x5200] =	vst v1  }
0x74: {  	v3 =	vadd.f32 v8, v3;
	v35 =	vmul.f32 $5.000000000e-01, v10;
	v1 =	vld [tilespmem:s18+$0xC080];
	[tilespmem:s17+$0x5080] =	vst v0  }
0x75: {  	v0 =	vadd.f32 v34, v5;
	v36 =	vmul.f32 $2.000000030e-01, v11;
	v33 =	vld [tilespmem:s18+$0xC100];
	[tilespmem:s17+$0x9000] =	vst v2  }
0x76: {  	v6 =	vadd.f32 v35, v6;
	v2 =	vld [tilespmem:s18+$0xD200];
	[tilespmem:s17+$0x8080] =	vst v3  }
0x77: {  	v4 =	vadd.f32 v36, v4;
	v3 =	vld [tilespmem:s18+$0xD280];
	[tilespmem:s17+$0x8280] =	vst v0  }
0x78: {  	v37 =	vld [tilespmem:s18+$0xE000];
	[tilespmem:s17+$0x8100] =	vst v6  }
0x79: {  	v39 =	vld [tilespmem:s18+$0xE080];
	[tilespmem:s17+$0x9200] =	vst v4  }
0x7a: {  	v44 =	vld [tilespmem:s18+$0xF000]  }
0x7b: {  	v45 =	vld [tilespmem:s18+$0xF080]  }
0x7c: {  	v47 =	vld [tilespmem:s18+$0x10200]  }
0x7d: {  	v48 =	vld [tilespmem:s18+$0x10280]  }
0x7e: {  	v50 =	vld [tilespmem:s18+$0x11000]  }
0x7f: {  	v52 =	vld [tilespmem:s18+$0x11080]  }
0x80: {  	v38 =	vmul.f32 $6.000000240e-01, v12;
	v53 =	vld [tilespmem:s18+$0x10200]  }
0x81: {  	v0 =	vmul.f32 $2.000000030e-01, v17;
	v42 =	vmul.f32 $5.000000000e-01, v13;
	v55 =	vld [tilespmem:s18+$0xF000]  }
0x82: {  	v13 =	vmul.f32 $2.000000030e-01, v13;
	v41 =	vmul.f32 $2.000000030e-01, v14;
	v18 =	vld [tilespmem:s18+$0x12000]  }
0x83: {  	v43 =	vmul.f32 $2.500000000e-01, v1;
	v1 =	vmul.f32 $6.000000240e-01, v1;
	v26 =	vld [tilespmem:s18+$0xD300]  }
0x84: {  	v46 =	vmul.f32 $2.500000000e-01, v33;
	v19 =	vld [tilespmem:s18+$0x12080];
	v7 =	vmul.f32 $6.000000240e-01, v33  }
0x85: {  	v20 =	vld [tilespmem:s18+$0x13200];
	v49 =	vmul.f32 $2.000000030e-01, v2;
	v2 =	vmul.f32 $4.000000060e-01, v2  }
0x86: {  	v21 =	vld [tilespmem:s18+$0x13280];
	v51 =	vmul.f32 $5.000000000e-01, v3;
	v3 =	vmul.f32 $3.000000120e-01, v3  }
0x87: {  	v40 =	vadd.f32 v0, v38;
	v27 =	vld [tilespmem:s18+$0x15080];
	v8 =	vmul.f32 $3.000000120e-01, v37;
	v5 =	vmul.f32 $3.000000120e-01, v39  }
0x88: {  	v28 =	vld [tilespmem:s18+$0x15200];
	v58 =	vmul.f32 $5.000000000e-01, v44;
	v59 =	vmul.f32 $3.000000120e-01, v26  }
0x89: {  	v29 =	vld [tilespmem:s18+$0xF100];
	v6 =	vadd.f32 v41, v40;
	v9 =	vmul.f32 $2.500000000e-01, v45;
	v60 =	vmul.f32 $4.000000060e-01, v47  }
0x8a: {  	v22 =	vld [tilespmem:s18+$0x14000];
	v10 =	vmul.f32 $2.000000030e-01, v47;
	v26 =	vmul.f32 $5.000000000e-01, v26  }
0x8b: {  	v57 =	vld [tilespmem:s18+$0x10300];
	v4 =	vadd.f32 v43, v42;
	[tilespmem:s18+$0x9080] =	vst v6;
	v6 =	vmul.f32 $3.000000120e-01, v48;
	v62 =	vmul.f32 $3.000000120e-01, v50  }
0x8c: {  	v30 =	vld [tilespmem:s18+$0x10280];
	v1 =	vadd.f32 v13, v1;
	v32 =	vmul.f32 $2.000000030e-01, v27;
	v33 =	vmul.f32 $2.000000030e-01, v53  }
0x8d: {  	v31 =	vld [tilespmem:s18+$0x10300];
	v7 =	vadd.f32 v13, v7;
	v35 =	vmul.f32 $2.000000030e-01, v55;
	v36 =	vmul.f32 $2.000000030e-01, v28  }
0x8e: {  	v23 =	vld [tilespmem:s18+$0x13200];
	v4 =	vadd.f32 v46, v4;
	v39 =	vmul.f32 $2.500000000e-01, v29;
	v40 =	vmul.f32 $5.000000000e-01, v18  }
0x8f: {  	v24 =	vld [tilespmem:s18+$0x14080];
	v8 =	vadd.f32 v49, v8;
	v41 =	vmul.f32 $2.500000000e-01, v19;
	v43 =	vmul.f32 $4.000000060e-01, v20  }
0x90: {  	v54 =	vld [tilespmem:s18+$0xF080];
	v2 =	vadd.f32 v3, v2;
	v13 =	vmul.f32 $3.000000120e-01, v57;
	v44 =	vmul.f32 $3.000000120e-01, v21  }
0x91: {  	v61 =	vld [tilespmem:s18+$0x16080];
	[tilespmem:s18+$0x1000] =	vst v4;
	v45 =	vmul.f32 $5.000000000e-01, v30;
	v47 =	vmul.f32 $3.000000120e-01, v22;
	v4 =	vadd.f32 v51, v8  }
0x92: {  	v42 =	vld [tilespmem:s18+$0x13280];
	v48 =	vmul.f32 $5.000000000e-01, v31;
	v5 =	vadd.f32 v49, v5;
	v2 =	vadd.f32 v59, v2  }
0x93: {  	v63 =	vld [tilespmem:s18+$0x16200];
	v53 =	vmul.f32 $2.000000030e-01, v23;
	v3 =	vadd.f32 v9, v58;
	v1 =	vadd.f32 v32, v1;
	[tilespmem:s18+$0x280] =	vst v4  }
0x94: {  	v37 =	vld [tilespmem:s18+$0x13300];
	v55 =	vmul.f32 $3.000000120e-01, v24;
	v6 =	vadd.f32 v6, v60;
	v7 =	vadd.f32 v36, v7;
	[tilespmem:s18+$0x80] =	vst v2  }
0x95: {  	v56 =	vld [tilespmem:s18+$0xF100];
	v8 =	vmul.f32 $6.000000240e-01, v54;
	v9 =	vadd.f32 v10, v62;
	v5 =	vadd.f32 v26, v5;
	[tilespmem:s18+$0x1200] =	vst v1  }
0x96: {  	v34 =	vld [tilespmem:s18+$0x12100];
	v49 =	vadd.f32 v44, v43;
	v51 =	vmul.f32 $2.000000030e-01, v61;
	v3 =	vadd.f32 v39, v3;
	[tilespmem:s18+$0x1080] =	vst v7  }
0x97: {  	v25 =	vld [tilespmem:s18+$0x12080];
	v57 =	vadd.f32 v53, v47;
	v59 =	vmul.f32 $5.000000000e-01, v42;
	v6 =	vadd.f32 v13, v6;
	[tilespmem:s18+$0x100] =	vst v5  }
0x98: {  	v46 =	vld [tilespmem:s18+$0x13300];
	v26 =	vmul.f32 $3.000000120e-01, v52;
	v38 =	vadd.f32 v35, v8;
	v50 =	vadd.f32 v45, v9;
	[tilespmem:s18+$0x5000] =	vst v3  }
0x99: {  	v54 =	vmul.f32 $2.000000030e-01, v63;
	v52 =	vld [tilespmem:s18+$0x17080];
	v10 =	vmul.f32 $3.000000120e-01, v37;
	v62 =	vadd.f32 v59, v57;
	[tilespmem:s18+$0x4080] =	vst v6  }
0x9a: {  	v4 =	vmul.f32 $6.000000240e-01, v56;
	v2 =	vadd.f32 v33, v26;
	v1 =	vadd.f32 v51, v38;
	[tilespmem:s18+$0x4280] =	vst v50  }
0x9b: {  	v56 =	vmul.f32 $2.500000000e-01, v34;
	v5 =	vadd.f32 v41, v40;
	v3 =	vadd.f32 v10, v49;
	[tilespmem:s18+$0x8280] =	vst v62  }
0x9c: {  	v58 =	vmul.f32 $6.000000240e-01, v25;
	v4 =	vadd.f32 v35, v4;
	v2 =	vadd.f32 v48, v2;
	[tilespmem:s18+$0x5200] =	vst v1  }
0x9d: {  	v60 =	vadd.f32 v53, v55;
	v61 =	vmul.f32 $5.000000000e-01, v46;
	v5 =	vadd.f32 v56, v5;
	[tilespmem:s18+$0x8080] =	vst v3  }
0x9e: {  	v0 =	vadd.f32 v0, v58;
	v4 =	vadd.f32 v54, v4;
	v63 =	vmul.f32 $2.000000030e-01, v52;
	[tilespmem:s18+$0x4100] =	vst v2  }
0x9f: {  	v1 =	vadd.f32 v61, v60;
	[tilespmem:s18+$0x9000] =	vst v5  }
0xa0: {  	s16 =	sadd.s32 $0x1, s16;
	[tilespmem:s18+$0x5080] =	vst v4;
	v0 =	vadd.f32 v63, v0  }
0xa1: {  	p0 =	sne.s32 s16, s7;
	[tilespmem:s18+$0x8100] =	vst v1  }
.Ltmp1:
0xa2: {  	[tilespmem:s18+$0x9200] =	vst v0;
	(pc) =	sbr.rel @p0 .LBB2_1-.Ltmp1, $4  }
0xa3: {  	[hbm4b:s6+s8] =	stream.strided.scatter [tilespmem:s2], [sflag:$0x3], $0xC000, s9, s8, $0x38;
	[tilespmem:$0x18000] =	vst v63  }
0xa4: {  	_ =	swait.ge [sflag:s15], $0xC000  }
0xa5: {  	[sflag:s15] =	ssyncset.done $0x0  }
0xa6: {  	[sflag:s15] =	ssyncadd.s32 $0xFFFF4000  }
0xa7: {  	_ =	sfence.sel $0x180000  }
0xa8: {  	[bflag:$0x0] =	sbarrier.arrive $0xFFFF  }
0xa9: {  	p0 =	sne.s32 s1, $0x0;
	_ =	strace $0x90000047  }
0xaa: {  	s0 =	sadd.s32 @!p0 $0x100000, s0;
	[bflag:$0x2] =	sbarrier.arrive $0xFFFF  }
0xab: {  	[sflag:s0] =	ssyncadd.tile.s32 @!p0 $0x1;
	_ =	shalt  }
.Lfunc_end2:
_tile_overlayer_lowered:
.L_overlay_start_2:
0xac: {  	(tag) =	ssettag $0x2  }
0xad: {  	s0 =	rddreg [dreg:$0x0];
	s2 =	stileid.u32  }
0xae: {  	s1 =	rddreg [dreg:$0x1];
	p0 =	sne.s32 s2, $0x0  }
0xaf: {  	s3 =	rddreg [dreg:$0x2];
	[bflag:$0x3] =	sbarrier.arrive $0xFFFF;
	s2 =	simm.s32 @!p0 $0x1C03  }
0xb0: {  	[timem:s3], [sflag:s2] =	dma.local @!p0 [hbm:s0], s1  }
0xb1: {  	s0 =	simm.s32 @!p0 $0x3  }
0xb2: {  	_ =	swait.ge @!p0 [sflag:s0], s1  }
0xb3: {  	s1 =	ssub.s32 @!p0 $0x0, s1;
	[sflag:s0] =	ssyncset.done @!p0 $0x0  }
0xb4: {  	[sflag:s0] =	ssyncadd.s32 @!p0 s1  }
0xb5: {  	[bflag:$0x3] =	sbarrier.arrive $0xFFFF  }
0xb6: {  	_ =	shalt  }

</sc_bundles>
